<compile_context>
chip_gen: v7x
topology: tpu7x:2x2x1
jax: 0.10.2.dev20260603
libtpu: 0.0.44.dev20260713+nightly
codegen_flags: <defaults>
</compile_context>

<pallas_src>
import functools

import jax
import jax.numpy as jnp
from jax import lax
from jax.experimental import pallas as pl
from jax.experimental.pallas import tpu as pltpu
from jax.experimental.pallas import tpu_sc as plsc

B = 32
N = 16384
S = 64
L = 16
CP0 = 2048
CP1 = N - CP0
UNROLL = 4
RADIUS_SQ = 1.0
FULL = 0x40404040

_mesh = plsc.VectorSubcoreMesh(core_axis_name="c", subcore_axis_name="s")


@functools.partial(
    pl.kernel,
    mesh=_mesh,
    compiler_params=pltpu.CompilerParams(needs_layout_passes=False),
    out_type=jax.ShapeDtypeStruct((B, 8, S), jnp.int32),
    scratch_types=[
        pltpu.VMEM((3, N), jnp.float32),
        pltpu.VMEM((8, S), jnp.int32),
        pltpu.SemaphoreType.DMA((2,)),
    ],
)
def _octant_query_sc(pcs_hbm, out_hbm, pts, obuf, dsems):
    wid = lax.axis_index("s") * 2 + lax.axis_index("c")

    copies = [
        pltpu.async_copy(pcs_hbm.at[:, wid, pl.ds(0, CP0)],
                         pts.at[:, pl.ds(0, CP0)], dsems.at[0]),
        pltpu.async_copy(pcs_hbm.at[:, wid, pl.ds(CP0, CP1)],
                         pts.at[:, pl.ds(CP0, CP1)], dsems.at[1]),
    ]

    lane = lax.iota(jnp.int32, L)
    neg1 = jnp.full((L,), -1, jnp.int32)
    for o in range(8):
        for j in range(S // L):
            obuf[o, pl.ds(j * L, L)] = neg1
    last = jnp.full((L,), L - 1, jnp.int32)

    def do_vreg(j, cl, ch):
        off = j * L
        x = pts[0, pl.ds(off, L)]
        y = pts[1, pl.ds(off, L)]
        z = pts[2, pl.ds(off, L)]
        oct_id = ((x > 0).astype(jnp.int32) * 4
                  + (y > 0).astype(jnp.int32) * 2
                  + (z > 0).astype(jnp.int32))
        within = (x * x + y * y + z * z) <= RADIUS_SQ
        low = oct_id < 4
        shamt = (oct_id & 3) << 3
        oh = jnp.left_shift(jnp.int32(1), shamt)
        zero = jnp.zeros((L,), jnp.int32)
        ohl = jnp.where(within & low, oh, zero)
        ohh = jnp.where(within & jnp.logical_not(low), oh, zero)
        cuml = plsc.cumsum(ohl)
        cumh = plsc.cumsum(ohh)
        suml = cuml + cl
        sumh = cumh + ch
        slot = ((jnp.where(low, suml, sumh) >> shamt) & 255) - 1
        sel = within & (slot < S)
        slot_c = jnp.where(sel, slot, 0)
        plsc.store_scatter(obuf, [oct_id, slot_c], lane + off, mask=sel)
        tot_l = cuml.at[last].get(mode="promise_in_bounds")
        tot_h = cumh.at[last].get(mode="promise_in_bounds")
        return cl + tot_l, ch + tot_h

    def clamp64(c):
        m = ((c >> 6) | (c >> 7)) & 0x01010101
        fm = (m << 8) - m
        return (c & ~fm) | (m << 6)

    done = jnp.bool_(False)
    cl = jnp.zeros((L,), jnp.int32)
    ch = jnp.zeros((L,), jnp.int32)
    bounds = (CP0 // L, N // L)
    start = jnp.int32(0)
    for c in range(2):
        copies[c].wait()

        def cond(carry):
            j, _, _, d = carry
            return (j < bounds[c]) & jnp.logical_not(d)

        def body(carry):
            j, cl, ch, _ = carry
            for u in range(UNROLL):
                cl, ch = do_vreg(j + u, cl, ch)
            cl = clamp64(cl)
            ch = clamp64(ch)
            d = jnp.all((cl == FULL) & (ch == FULL))
            return j + UNROLL, cl, ch, d

        start, cl, ch, done = lax.while_loop(cond, body,
                                             (start, cl, ch, done))

    pltpu.sync_copy(obuf, out_hbm.at[wid])


def kernel(pcs):
    return _octant_query_sc(jnp.transpose(pcs, (1, 0, 2)))

# --- scband reference (transcript-rebuilt; emitter-appended) ---
"""Pipeline reference for scband-octant-query-36687610643110 (READ-ONLY COPY).

The authoritative reference and input builder live on the scoring server;
editing this copy changes nothing except your own understanding.
"""

import jax, jax.numpy as jnp
import numpy as np

RADIUS = 1.0
MAX_SAMPLES = 64
DEFAULT_VALUE = -1
B, N = 32, 16384


def setup_inputs(seed: int = 0) -> dict:
    key = jax.random.key(seed)
    pcs = jax.random.normal(key, (B, 3, N), dtype=jnp.float32)
    return {"pcs": pcs}


def reference(pcs):
    # Faithful translation of OctantQuery: for each batch, find points whose
    # coordinates lie within `radius` of the origin, assign each such point to
    # one of 8 octants by the signs of (x, y, z), and record up to
    # MAX_SAMPLES original point indices per octant (first-come in original
    # order), padding unused slots with DEFAULT_VALUE.
    radius = RADIUS
    S = MAX_SAMPLES
    default_value = DEFAULT_VALUE
    _, _, n = pcs.shape

    def per_batch(p):  # p: [3, N]
        x, y, z = p[0], p[1], p[2]
        oct_id = ((x > 0).astype(jnp.int32) * 4
                  + (y > 0).astype(jnp.int32) * 2
                  + (z > 0).astype(jnp.int32))
        within = jnp.sum(p * p, axis=0) <= radius * radius
        idx = jnp.arange(n, dtype=jnp.int32)
        rows = []
        for o in range(8):
            valid = within & (oct_id == o)
            rank = jnp.cumsum(valid.astype(jnp.int32)) - 1
            sel = valid & (rank < S)
            # scatter selected point indices into their rank slot; non-selected
            # writes go to a discard slot S
            pos = jnp.where(sel, rank, S)
            vals = jnp.where(sel, idx, default_value)
            tmp = jnp.full((S + 1,), default_value, dtype=jnp.int32).at[pos].set(vals)
            rows.append(tmp[:S])
        return jnp.stack(rows, axis=0)  # [8, S]

    return jax.vmap(per_batch)(pcs)  # [B, 8, S]

if __name__ == "__main__":
    import jax
    _d = setup_inputs()
    print(jax.jit(kernel)(*tuple(_d.values())))

</pallas_src>

<mosaic_0001>
#map = affine_map<(d0, d1) -> (0, 0, 0)>
module attributes {stable_mosaic.version = 14 : i64} {
  func.func @_octant_query_sc(%arg0: i32, %arg1: i32, %arg2: memref<3x32x16384xf32, #tpu.memory_space<hbm>>, %arg3: memref<32x8x64xi32, #tpu.memory_space<hbm>>, %arg4: memref<3x16384xf32, #tpu.memory_space<vmem>>, %arg5: memref<8x64xi32, #tpu.memory_space<vmem>>, %arg6: memref<2x!tpu.dma_semaphore, #tpu.memory_space<semaphore_mem>>) attributes {dimension_semantics = [#tpu.dimension_semantics<core_parallel>, #tpu.dimension_semantics<subcore_parallel>], iteration_bounds = array<i64: 2, 16>, scalar_prefetch = 0 : i64, scratch_operands = 3 : i64, tpu.core_type = #tpu.core_type<sc_vector_subcore>, window_params = [{transform_indices = #map}, {transform_indices = #map}]} {
    %mul3A = arith.constant 2 : i32
    %mul3A_0 = arith.muli %arg1, %mul3A : i32
    %add3A = arith.addi %mul3A_0, %arg0 : i32
    %dma_start3A = arith.constant 0 : i32
    %dma_start3A_1 = arith.constant 0 : i32
    %dma_start3A_2 = arith.constant 0 : i32
    %dma_start3A_3 = tpu.memref_slice %arg4[%dma_start3A_1, %dma_start3A_2] : memref<3x16384xf32, #tpu.memory_space<vmem>> -> memref<3x2048xf32, #tpu.memory_space<vmem>>
    %dma_start3A_4 = arith.constant 0 : i32
    %dma_start3A_5 = arith.constant 0 : i32
    %dma_start3A_6 = tpu.memref_slice %arg2[%dma_start3A_4, %add3A, %dma_start3A_5] : memref<3x32x16384xf32, #tpu.memory_space<hbm>> -> memref<3x1x2048xf32, #tpu.memory_space<hbm>>
    %dma_start3A_7 = tpu.memref_squeeze %dma_start3A_6 : memref<3x1x2048xf32, #tpu.memory_space<hbm>> -> memref<3x2048xf32, #tpu.memory_space<hbm>>
    %dma_start3A_8 = tpu.memref_slice %arg6[%dma_start3A] : memref<2x!tpu.dma_semaphore, #tpu.memory_space<semaphore_mem>> -> memref<1x!tpu.dma_semaphore, #tpu.memory_space<semaphore_mem>>
    %dma_start3A_9 = tpu.memref_squeeze %dma_start3A_8 : memref<1x!tpu.dma_semaphore, #tpu.memory_space<semaphore_mem>> -> memref<!tpu.dma_semaphore, #tpu.memory_space<semaphore_mem>>
    %dma_start3A_10 = arith.constant 0 : i32
    %dma_start3A_11 = arith.constant 0 : i32
    %dma_start3A_12 = tpu.memref_slice %arg4[%dma_start3A_10, %dma_start3A_11] : memref<3x16384xf32, #tpu.memory_space<vmem>> -> memref<3x2048xf32, #tpu.memory_space<vmem>>
    %dma_start3A_13 = arith.constant 0 : i32
    %dma_start3A_14 = arith.constant 0 : i32
    %dma_start3A_15 = tpu.memref_slice %arg2[%dma_start3A_13, %add3A, %dma_start3A_14] : memref<3x32x16384xf32, #tpu.memory_space<hbm>> -> memref<3x1x2048xf32, #tpu.memory_space<hbm>>
    %dma_start3A_16 = tpu.memref_squeeze %dma_start3A_15 : memref<3x1x2048xf32, #tpu.memory_space<hbm>> -> memref<3x2048xf32, #tpu.memory_space<hbm>>
    tpu.enqueue_dma source(%dma_start3A_16 : memref<3x2048xf32, #tpu.memory_space<hbm>>) target(%dma_start3A_12 : memref<3x2048xf32, #tpu.memory_space<vmem>>) target_semaphore(%dma_start3A_9 : memref<!tpu.dma_semaphore, #tpu.memory_space<semaphore_mem>>)
    %dma_start3A_17 = arith.constant 1 : i32
    %dma_start3A_18 = arith.constant 0 : i32
    %dma_start3A_19 = arith.constant 2048 : i32
    %dma_start3A_20 = tpu.memref_slice %arg4[%dma_start3A_18, %dma_start3A_19] : memref<3x16384xf32, #tpu.memory_space<vmem>> -> memref<3x14336xf32, #tpu.memory_space<vmem>>
    %dma_start3A_21 = arith.constant 0 : i32
    %dma_start3A_22 = arith.constant 2048 : i32
    %dma_start3A_23 = tpu.memref_slice %arg2[%dma_start3A_21, %add3A, %dma_start3A_22] : memref<3x32x16384xf32, #tpu.memory_space<hbm>> -> memref<3x1x14336xf32, #tpu.memory_space<hbm>>
    %dma_start3A_24 = tpu.memref_squeeze %dma_start3A_23 : memref<3x1x14336xf32, #tpu.memory_space<hbm>> -> memref<3x14336xf32, #tpu.memory_space<hbm>>
    %dma_start3A_25 = tpu.memref_slice %arg6[%dma_start3A_17] : memref<2x!tpu.dma_semaphore, #tpu.memory_space<semaphore_mem>> -> memref<1x!tpu.dma_semaphore, #tpu.memory_space<semaphore_mem>>
    %dma_start3A_26 = tpu.memref_squeeze %dma_start3A_25 : memref<1x!tpu.dma_semaphore, #tpu.memory_space<semaphore_mem>> -> memref<!tpu.dma_semaphore, #tpu.memory_space<semaphore_mem>>
    %dma_start3A_27 = arith.constant 0 : i32
    %dma_start3A_28 = arith.constant 2048 : i32
    %dma_start3A_29 = tpu.memref_slice %arg4[%dma_start3A_27, %dma_start3A_28] : memref<3x16384xf32, #tpu.memory_space<vmem>> -> memref<3x14336xf32, #tpu.memory_space<vmem>>
    %dma_start3A_30 = arith.constant 0 : i32
    %dma_start3A_31 = arith.constant 2048 : i32
    %dma_start3A_32 = tpu.memref_slice %arg2[%dma_start3A_30, %add3A, %dma_start3A_31] : memref<3x32x16384xf32, #tpu.memory_space<hbm>> -> memref<3x1x14336xf32, #tpu.memory_space<hbm>>
    %dma_start3A_33 = tpu.memref_squeeze %dma_start3A_32 : memref<3x1x14336xf32, #tpu.memory_space<hbm>> -> memref<3x14336xf32, #tpu.memory_space<hbm>>
    tpu.enqueue_dma source(%dma_start3A_33 : memref<3x14336xf32, #tpu.memory_space<hbm>>) target(%dma_start3A_29 : memref<3x14336xf32, #tpu.memory_space<vmem>>) target_semaphore(%dma_start3A_26 : memref<!tpu.dma_semaphore, #tpu.memory_space<semaphore_mem>>)
    %iota3A = tpu.iota {dimensions = array<i32: 0>} : vector<16xi32>
    %broadcast_in_dim3A = arith.constant -1 : i32
    %broadcast_in_dim3A_34 = vector.broadcast %broadcast_in_dim3A : i32 to vector<16xi32>
    %swap3A = arith.constant 0 : i32
    %swap3A_35 = arith.index_cast %swap3A : i32 to index
    %swap3A_36 = arith.constant 0 : index
    %swap3A_37 = tpu.vector_load %arg5[%swap3A_35, %swap3A_36] {strides = array<i32>} : memref<8x64xi32, #tpu.memory_space<vmem>>, vector<16xi32>,
    tpu.vector_store %arg5[%swap3A_35, %swap3A_36], %broadcast_in_dim3A_34 {strides = array<i32>} : memref<8x64xi32, #tpu.memory_space<vmem>>, vector<16xi32>,
    %swap3A_38 = arith.constant 0 : i32
    %swap3A_39 = arith.index_cast %swap3A_38 : i32 to index
    %swap3A_40 = arith.constant 16 : index
    %swap3A_41 = tpu.vector_load %arg5[%swap3A_39, %swap3A_40] {strides = array<i32>} : memref<8x64xi32, #tpu.memory_space<vmem>>, vector<16xi32>,
    tpu.vector_store %arg5[%swap3A_39, %swap3A_40], %broadcast_in_dim3A_34 {strides = array<i32>} : memref<8x64xi32, #tpu.memory_space<vmem>>, vector<16xi32>,
    %swap3A_42 = arith.constant 0 : i32
    %swap3A_43 = arith.index_cast %swap3A_42 : i32 to index
    %swap3A_44 = arith.constant 32 : index
    %swap3A_45 = tpu.vector_load %arg5[%swap3A_43, %swap3A_44] {strides = array<i32>} : memref<8x64xi32, #tpu.memory_space<vmem>>, vector<16xi32>,
    tpu.vector_store %arg5[%swap3A_43, %swap3A_44], %broadcast_in_dim3A_34 {strides = array<i32>} : memref<8x64xi32, #tpu.memory_space<vmem>>, vector<16xi32>,
    %swap3A_46 = arith.constant 0 : i32
    %swap3A_47 = arith.index_cast %swap3A_46 : i32 to index
    %swap3A_48 = arith.constant 48 : index
    %swap3A_49 = tpu.vector_load %arg5[%swap3A_47, %swap3A_48] {strides = array<i32>} : memref<8x64xi32, #tpu.memory_space<vmem>>, vector<16xi32>,
    tpu.vector_store %arg5[%swap3A_47, %swap3A_48], %broadcast_in_dim3A_34 {strides = array<i32>} : memref<8x64xi32, #tpu.memory_space<vmem>>, vector<16xi32>,
    %swap3A_50 = arith.constant 1 : i32
    %swap3A_51 = arith.index_cast %swap3A_50 : i32 to index
    %swap3A_52 = arith.constant 0 : index
    %swap3A_53 = tpu.vector_load %arg5[%swap3A_51, %swap3A_52] {strides = array<i32>} : memref<8x64xi32, #tpu.memory_space<vmem>>, vector<16xi32>,
    tpu.vector_store %arg5[%swap3A_51, %swap3A_52], %broadcast_in_dim3A_34 {strides = array<i32>} : memref<8x64xi32, #tpu.memory_space<vmem>>, vector<16xi32>,
    %swap3A_54 = arith.constant 1 : i32
    %swap3A_55 = arith.index_cast %swap3A_54 : i32 to index
    %swap3A_56 = arith.constant 16 : index
    %swap3A_57 = tpu.vector_load %arg5[%swap3A_55, %swap3A_56] {strides = array<i32>} : memref<8x64xi32, #tpu.memory_space<vmem>>, vector<16xi32>,
    tpu.vector_store %arg5[%swap3A_55, %swap3A_56], %broadcast_in_dim3A_34 {strides = array<i32>} : memref<8x64xi32, #tpu.memory_space<vmem>>, vector<16xi32>,
    %swap3A_58 = arith.constant 1 : i32
    %swap3A_59 = arith.index_cast %swap3A_58 : i32 to index
    %swap3A_60 = arith.constant 32 : index
    %swap3A_61 = tpu.vector_load %arg5[%swap3A_59, %swap3A_60] {strides = array<i32>} : memref<8x64xi32, #tpu.memory_space<vmem>>, vector<16xi32>,
    tpu.vector_store %arg5[%swap3A_59, %swap3A_60], %broadcast_in_dim3A_34 {strides = array<i32>} : memref<8x64xi32, #tpu.memory_space<vmem>>, vector<16xi32>,
    %swap3A_62 = arith.constant 1 : i32
    %swap3A_63 = arith.index_cast %swap3A_62 : i32 to index
    %swap3A_64 = arith.constant 48 : index
    %swap3A_65 = tpu.vector_load %arg5[%swap3A_63, %swap3A_64] {strides = array<i32>} : memref<8x64xi32, #tpu.memory_space<vmem>>, vector<16xi32>,
    tpu.vector_store %arg5[%swap3A_63, %swap3A_64], %broadcast_in_dim3A_34 {strides = array<i32>} : memref<8x64xi32, #tpu.memory_space<vmem>>, vector<16xi32>,
    %swap3A_66 = arith.constant 2 : i32
    %swap3A_67 = arith.index_cast %swap3A_66 : i32 to index
    %swap3A_68 = arith.constant 0 : index
    %swap3A_69 = tpu.vector_load %arg5[%swap3A_67, %swap3A_68] {strides = array<i32>} : memref<8x64xi32, #tpu.memory_space<vmem>>, vector<16xi32>,
    tpu.vector_store %arg5[%swap3A_67, %swap3A_68], %broadcast_in_dim3A_34 {strides = array<i32>} : memref<8x64xi32, #tpu.memory_space<vmem>>, vector<16xi32>,
    %swap3A_70 = arith.constant 2 : i32
    %swap3A_71 = arith.index_cast %swap3A_70 : i32 to index
    %swap3A_72 = arith.constant 16 : index
    %swap3A_73 = tpu.vector_load %arg5[%swap3A_71, %swap3A_72] {strides = array<i32>} : memref<8x64xi32, #tpu.memory_space<vmem>>, vector<16xi32>,
    tpu.vector_store %arg5[%swap3A_71, %swap3A_72], %broadcast_in_dim3A_34 {strides = array<i32>} : memref<8x64xi32, #tpu.memory_space<vmem>>, vector<16xi32>,
    %swap3A_74 = arith.constant 2 : i32
    %swap3A_75 = arith.index_cast %swap3A_74 : i32 to index
    %swap3A_76 = arith.constant 32 : index
    %swap3A_77 = tpu.vector_load %arg5[%swap3A_75, %swap3A_76] {strides = array<i32>} : memref<8x64xi32, #tpu.memory_space<vmem>>, vector<16xi32>,
    tpu.vector_store %arg5[%swap3A_75, %swap3A_76], %broadcast_in_dim3A_34 {strides = array<i32>} : memref<8x64xi32, #tpu.memory_space<vmem>>, vector<16xi32>,
    %swap3A_78 = arith.constant 2 : i32
    %swap3A_79 = arith.index_cast %swap3A_78 : i32 to index
    %swap3A_80 = arith.constant 48 : index
    %swap3A_81 = tpu.vector_load %arg5[%swap3A_79, %swap3A_80] {strides = array<i32>} : memref<8x64xi32, #tpu.memory_space<vmem>>, vector<16xi32>,
    tpu.vector_store %arg5[%swap3A_79, %swap3A_80], %broadcast_in_dim3A_34 {strides = array<i32>} : memref<8x64xi32, #tpu.memory_space<vmem>>, vector<16xi32>,
    %swap3A_82 = arith.constant 3 : i32
    %swap3A_83 = arith.index_cast %swap3A_82 : i32 to index
    %swap3A_84 = arith.constant 0 : index
    %swap3A_85 = tpu.vector_load %arg5[%swap3A_83, %swap3A_84] {strides = array<i32>} : memref<8x64xi32, #tpu.memory_space<vmem>>, vector<16xi32>,
    tpu.vector_store %arg5[%swap3A_83, %swap3A_84], %broadcast_in_dim3A_34 {strides = array<i32>} : memref<8x64xi32, #tpu.memory_space<vmem>>, vector<16xi32>,
    %swap3A_86 = arith.constant 3 : i32
    %swap3A_87 = arith.index_cast %swap3A_86 : i32 to index
    %swap3A_88 = arith.constant 16 : index
    %swap3A_89 = tpu.vector_load %arg5[%swap3A_87, %swap3A_88] {strides = array<i32>} : memref<8x64xi32, #tpu.memory_space<vmem>>, vector<16xi32>,
    tpu.vector_store %arg5[%swap3A_87, %swap3A_88], %broadcast_in_dim3A_34 {strides = array<i32>} : memref<8x64xi32, #tpu.memory_space<vmem>>, vector<16xi32>,
    %swap3A_90 = arith.constant 3 : i32
    %swap3A_91 = arith.index_cast %swap3A_90 : i32 to index
    %swap3A_92 = arith.constant 32 : index
    %swap3A_93 = tpu.vector_load %arg5[%swap3A_91, %swap3A_92] {strides = array<i32>} : memref<8x64xi32, #tpu.memory_space<vmem>>, vector<16xi32>,
    tpu.vector_store %arg5[%swap3A_91, %swap3A_92], %broadcast_in_dim3A_34 {strides = array<i32>} : memref<8x64xi32, #tpu.memory_space<vmem>>, vector<16xi32>,
    %swap3A_94 = arith.constant 3 : i32
    %swap3A_95 = arith.index_cast %swap3A_94 : i32 to index
    %swap3A_96 = arith.constant 48 : index
    %swap3A_97 = tpu.vector_load %arg5[%swap3A_95, %swap3A_96] {strides = array<i32>} : memref<8x64xi32, #tpu.memory_space<vmem>>, vector<16xi32>,
    tpu.vector_store %arg5[%swap3A_95, %swap3A_96], %broadcast_in_dim3A_34 {strides = array<i32>} : memref<8x64xi32, #tpu.memory_space<vmem>>, vector<16xi32>,
    %swap3A_98 = arith.constant 4 : i32
    %swap3A_99 = arith.index_cast %swap3A_98 : i32 to index
    %swap3A_100 = arith.constant 0 : index
    %swap3A_101 = tpu.vector_load %arg5[%swap3A_99, %swap3A_100] {strides = array<i32>} : memref<8x64xi32, #tpu.memory_space<vmem>>, vector<16xi32>,
    tpu.vector_store %arg5[%swap3A_99, %swap3A_100], %broadcast_in_dim3A_34 {strides = array<i32>} : memref<8x64xi32, #tpu.memory_space<vmem>>, vector<16xi32>,
    %swap3A_102 = arith.constant 4 : i32
    %swap3A_103 = arith.index_cast %swap3A_102 : i32 to index
    %swap3A_104 = arith.constant 16 : index
    %swap3A_105 = tpu.vector_load %arg5[%swap3A_103, %swap3A_104] {strides = array<i32>} : memref<8x64xi32, #tpu.memory_space<vmem>>, vector<16xi32>,
    tpu.vector_store %arg5[%swap3A_103, %swap3A_104], %broadcast_in_dim3A_34 {strides = array<i32>} : memref<8x64xi32, #tpu.memory_space<vmem>>, vector<16xi32>,
    %swap3A_106 = arith.constant 4 : i32
    %swap3A_107 = arith.index_cast %swap3A_106 : i32 to index
    %swap3A_108 = arith.constant 32 : index
    %swap3A_109 = tpu.vector_load %arg5[%swap3A_107, %swap3A_108] {strides = array<i32>} : memref<8x64xi32, #tpu.memory_space<vmem>>, vector<16xi32>,
    tpu.vector_store %arg5[%swap3A_107, %swap3A_108], %broadcast_in_dim3A_34 {strides = array<i32>} : memref<8x64xi32, #tpu.memory_space<vmem>>, vector<16xi32>,
    %swap3A_110 = arith.constant 4 : i32
    %swap3A_111 = arith.index_cast %swap3A_110 : i32 to index
    %swap3A_112 = arith.constant 48 : index
    %swap3A_113 = tpu.vector_load %arg5[%swap3A_111, %swap3A_112] {strides = array<i32>} : memref<8x64xi32, #tpu.memory_space<vmem>>, vector<16xi32>,
    tpu.vector_store %arg5[%swap3A_111, %swap3A_112], %broadcast_in_dim3A_34 {strides = array<i32>} : memref<8x64xi32, #tpu.memory_space<vmem>>, vector<16xi32>,
    %swap3A_114 = arith.constant 5 : i32
    %swap3A_115 = arith.index_cast %swap3A_114 : i32 to index
    %swap3A_116 = arith.constant 0 : index
    %swap3A_117 = tpu.vector_load %arg5[%swap3A_115, %swap3A_116] {strides = array<i32>} : memref<8x64xi32, #tpu.memory_space<vmem>>, vector<16xi32>,
    tpu.vector_store %arg5[%swap3A_115, %swap3A_116], %broadcast_in_dim3A_34 {strides = array<i32>} : memref<8x64xi32, #tpu.memory_space<vmem>>, vector<16xi32>,
    %swap3A_118 = arith.constant 5 : i32
    %swap3A_119 = arith.index_cast %swap3A_118 : i32 to index
    %swap3A_120 = arith.constant 16 : index
    %swap3A_121 = tpu.vector_load %arg5[%swap3A_119, %swap3A_120] {strides = array<i32>} : memref<8x64xi32, #tpu.memory_space<vmem>>, vector<16xi32>,
    tpu.vector_store %arg5[%swap3A_119, %swap3A_120], %broadcast_in_dim3A_34 {strides = array<i32>} : memref<8x64xi32, #tpu.memory_space<vmem>>, vector<16xi32>,
    %swap3A_122 = arith.constant 5 : i32
    %swap3A_123 = arith.index_cast %swap3A_122 : i32 to index
    %swap3A_124 = arith.constant 32 : index
    %swap3A_125 = tpu.vector_load %arg5[%swap3A_123, %swap3A_124] {strides = array<i32>} : memref<8x64xi32, #tpu.memory_space<vmem>>, vector<16xi32>,
    tpu.vector_store %arg5[%swap3A_123, %swap3A_124], %broadcast_in_dim3A_34 {strides = array<i32>} : memref<8x64xi32, #tpu.memory_space<vmem>>, vector<16xi32>,
    %swap3A_126 = arith.constant 5 : i32
    %swap3A_127 = arith.index_cast %swap3A_126 : i32 to index
    %swap3A_128 = arith.constant 48 : index
    %swap3A_129 = tpu.vector_load %arg5[%swap3A_127, %swap3A_128] {strides = array<i32>} : memref<8x64xi32, #tpu.memory_space<vmem>>, vector<16xi32>,
    tpu.vector_store %arg5[%swap3A_127, %swap3A_128], %broadcast_in_dim3A_34 {strides = array<i32>} : memref<8x64xi32, #tpu.memory_space<vmem>>, vector<16xi32>,
    %swap3A_130 = arith.constant 6 : i32
    %swap3A_131 = arith.index_cast %swap3A_130 : i32 to index
    %swap3A_132 = arith.constant 0 : index
    %swap3A_133 = tpu.vector_load %arg5[%swap3A_131, %swap3A_132] {strides = array<i32>} : memref<8x64xi32, #tpu.memory_space<vmem>>, vector<16xi32>,
    tpu.vector_store %arg5[%swap3A_131, %swap3A_132], %broadcast_in_dim3A_34 {strides = array<i32>} : memref<8x64xi32, #tpu.memory_space<vmem>>, vector<16xi32>,
    %swap3A_134 = arith.constant 6 : i32
    %swap3A_135 = arith.index_cast %swap3A_134 : i32 to index
    %swap3A_136 = arith.constant 16 : index
    %swap3A_137 = tpu.vector_load %arg5[%swap3A_135, %swap3A_136] {strides = array<i32>} : memref<8x64xi32, #tpu.memory_space<vmem>>, vector<16xi32>,
    tpu.vector_store %arg5[%swap3A_135, %swap3A_136], %broadcast_in_dim3A_34 {strides = array<i32>} : memref<8x64xi32, #tpu.memory_space<vmem>>, vector<16xi32>,
    %swap3A_138 = arith.constant 6 : i32
    %swap3A_139 = arith.index_cast %swap3A_138 : i32 to index
    %swap3A_140 = arith.constant 32 : index
    %swap3A_141 = tpu.vector_load %arg5[%swap3A_139, %swap3A_140] {strides = array<i32>} : memref<8x64xi32, #tpu.memory_space<vmem>>, vector<16xi32>,
    tpu.vector_store %arg5[%swap3A_139, %swap3A_140], %broadcast_in_dim3A_34 {strides = array<i32>} : memref<8x64xi32, #tpu.memory_space<vmem>>, vector<16xi32>,
    %swap3A_142 = arith.constant 6 : i32
    %swap3A_143 = arith.index_cast %swap3A_142 : i32 to index
    %swap3A_144 = arith.constant 48 : index
    %swap3A_145 = tpu.vector_load %arg5[%swap3A_143, %swap3A_144] {strides = array<i32>} : memref<8x64xi32, #tpu.memory_space<vmem>>, vector<16xi32>,
    tpu.vector_store %arg5[%swap3A_143, %swap3A_144], %broadcast_in_dim3A_34 {strides = array<i32>} : memref<8x64xi32, #tpu.memory_space<vmem>>, vector<16xi32>,
    %swap3A_146 = arith.constant 7 : i32
    %swap3A_147 = arith.index_cast %swap3A_146 : i32 to index
    %swap3A_148 = arith.constant 0 : index
    %swap3A_149 = tpu.vector_load %arg5[%swap3A_147, %swap3A_148] {strides = array<i32>} : memref<8x64xi32, #tpu.memory_space<vmem>>, vector<16xi32>,
    tpu.vector_store %arg5[%swap3A_147, %swap3A_148], %broadcast_in_dim3A_34 {strides = array<i32>} : memref<8x64xi32, #tpu.memory_space<vmem>>, vector<16xi32>,
    %swap3A_150 = arith.constant 7 : i32
    %swap3A_151 = arith.index_cast %swap3A_150 : i32 to index
    %swap3A_152 = arith.constant 16 : index
    %swap3A_153 = tpu.vector_load %arg5[%swap3A_151, %swap3A_152] {strides = array<i32>} : memref<8x64xi32, #tpu.memory_space<vmem>>, vector<16xi32>,
    tpu.vector_store %arg5[%swap3A_151, %swap3A_152], %broadcast_in_dim3A_34 {strides = array<i32>} : memref<8x64xi32, #tpu.memory_space<vmem>>, vector<16xi32>,
    %swap3A_154 = arith.constant 7 : i32
    %swap3A_155 = arith.index_cast %swap3A_154 : i32 to index
    %swap3A_156 = arith.constant 32 : index
    %swap3A_157 = tpu.vector_load %arg5[%swap3A_155, %swap3A_156] {strides = array<i32>} : memref<8x64xi32, #tpu.memory_space<vmem>>, vector<16xi32>,
    tpu.vector_store %arg5[%swap3A_155, %swap3A_156], %broadcast_in_dim3A_34 {strides = array<i32>} : memref<8x64xi32, #tpu.memory_space<vmem>>, vector<16xi32>,
    %swap3A_158 = arith.constant 7 : i32
    %swap3A_159 = arith.index_cast %swap3A_158 : i32 to index
    %swap3A_160 = arith.constant 48 : index
    %swap3A_161 = tpu.vector_load %arg5[%swap3A_159, %swap3A_160] {strides = array<i32>} : memref<8x64xi32, #tpu.memory_space<vmem>>, vector<16xi32>,
    tpu.vector_store %arg5[%swap3A_159, %swap3A_160], %broadcast_in_dim3A_34 {strides = array<i32>} : memref<8x64xi32, #tpu.memory_space<vmem>>, vector<16xi32>,
    %broadcast_in_dim3A_162 = arith.constant 15 : i32
    %broadcast_in_dim3A_163 = vector.broadcast %broadcast_in_dim3A_162 : i32 to vector<16xi32>
    %broadcast_in_dim3A_164 = arith.constant 0 : i32
    %broadcast_in_dim3A_165 = vector.broadcast %broadcast_in_dim3A_164 : i32 to vector<16xi32>
    %broadcast_in_dim3A_166 = arith.constant 0 : i32
    %broadcast_in_dim3A_167 = vector.broadcast %broadcast_in_dim3A_166 : i32 to vector<16xi32>
    %dma_wait3A = arith.constant 0 : i32
    %dma_wait3A_168 = arith.constant 0 : i32
    %dma_wait3A_169 = arith.constant 0 : i32
    %dma_wait3A_170 = tpu.memref_slice %arg4[%dma_wait3A_168, %dma_wait3A_169] : memref<3x16384xf32, #tpu.memory_space<vmem>> -> memref<3x2048xf32, #tpu.memory_space<vmem>>
    %dma_wait3A_171 = arith.constant 0 : i32
    %dma_wait3A_172 = arith.constant 0 : i32
    %dma_wait3A_173 = tpu.memref_slice %arg2[%dma_wait3A_171, %add3A, %dma_wait3A_172] : memref<3x32x16384xf32, #tpu.memory_space<hbm>> -> memref<3x1x2048xf32, #tpu.memory_space<hbm>>
    %dma_wait3A_174 = tpu.memref_squeeze %dma_wait3A_173 : memref<3x1x2048xf32, #tpu.memory_space<hbm>> -> memref<3x2048xf32, #tpu.memory_space<hbm>>
    %dma_wait3A_175 = tpu.memref_slice %arg6[%dma_wait3A] : memref<2x!tpu.dma_semaphore, #tpu.memory_space<semaphore_mem>> -> memref<1x!tpu.dma_semaphore, #tpu.memory_space<semaphore_mem>>
    %dma_wait3A_176 = tpu.memref_squeeze %dma_wait3A_175 : memref<1x!tpu.dma_semaphore, #tpu.memory_space<semaphore_mem>> -> memref<!tpu.dma_semaphore, #tpu.memory_space<semaphore_mem>>
    %dma_wait3A_177 = arith.constant 0 : i32
    %dma_wait3A_178 = arith.constant 0 : i32
    %dma_wait3A_179 = tpu.memref_slice %arg4[%dma_wait3A_177, %dma_wait3A_178] : memref<3x16384xf32, #tpu.memory_space<vmem>> -> memref<3x2048xf32, #tpu.memory_space<vmem>>
    %dma_wait3A_180 = arith.constant 0 : i32
    %dma_wait3A_181 = arith.constant 0 : i32
    %dma_wait3A_182 = tpu.memref_slice %arg2[%dma_wait3A_180, %add3A, %dma_wait3A_181] : memref<3x32x16384xf32, #tpu.memory_space<hbm>> -> memref<3x1x2048xf32, #tpu.memory_space<hbm>>
    %dma_wait3A_183 = tpu.memref_squeeze %dma_wait3A_182 : memref<3x1x2048xf32, #tpu.memory_space<hbm>> -> memref<3x2048xf32, #tpu.memory_space<hbm>>
    tpu.wait_dma2 semaphore(%dma_wait3A_176 : memref<!tpu.dma_semaphore, #tpu.memory_space<semaphore_mem>>) src(%dma_wait3A_183 : memref<3x2048xf32, #tpu.memory_space<hbm>>) dst(%dma_wait3A_179 : memref<3x2048xf32, #tpu.memory_space<vmem>>)
    %while3A = arith.constant 0 : i32
    %while3A_184 = arith.constant false
    %while3A_185:4 = scf.while (%while3A_204 = %while3A, %while3A_205 = %broadcast_in_dim3A_165, %while3A_206 = %broadcast_in_dim3A_167, %while3A_207 = %while3A_184) : (i32, vector<16xi32>, vector<16xi32>, i1) -> (i32, vector<16xi32>, vector<16xi32>, i1) {
      %lt3A = arith.constant 128 : i32
      %lt3A_208 = arith.cmpi slt, %while3A_204, %lt3A : i32
      %not3A = arith.constant true
      %not3A_209 = arith.xori %while3A_207, %not3A : i1
      %and3A = arith.andi %lt3A_208, %not3A_209 : i1
      scf.condition(%and3A) %while3A_204, %while3A_205, %while3A_206, %while3A_207 : i32, vector<16xi32>, vector<16xi32>, i1
    } do {
    ^bb0(%while3A_204: i32, %while3A_205: vector<16xi32>, %while3A_206: vector<16xi32>, %while3A_207: i1):
      %add3A_208 = arith.constant 0 : i32
      %add3A_209 = arith.addi %while3A_204, %add3A_208 : i32
      %mul3A_210 = arith.constant 16 : i32
      %mul3A_211 = arith.muli %add3A_209, %mul3A_210 : i32
      %get3A = arith.constant 0 : i32
      %get3A_212 = arith.index_cast %get3A : i32 to index
      %get3A_213 = arith.index_cast %mul3A_211 : i32 to index
      %get3A_214 = tpu.vector_load %arg4[%get3A_212, %get3A_213] {strides = array<i32>} : memref<3x16384xf32, #tpu.memory_space<vmem>>, vector<16xf32>,
      %get3A_215 = arith.constant 1 : i32
      %get3A_216 = arith.index_cast %get3A_215 : i32 to index
      %get3A_217 = arith.index_cast %mul3A_211 : i32 to index
      %get3A_218 = tpu.vector_load %arg4[%get3A_216, %get3A_217] {strides = array<i32>} : memref<3x16384xf32, #tpu.memory_space<vmem>>, vector<16xf32>,
      %get3A_219 = arith.constant 2 : i32
      %get3A_220 = arith.index_cast %get3A_219 : i32 to index
      %get3A_221 = arith.index_cast %mul3A_211 : i32 to index
      %get3A_222 = tpu.vector_load %arg4[%get3A_220, %get3A_221] {strides = array<i32>} : memref<3x16384xf32, #tpu.memory_space<vmem>>, vector<16xf32>,
      %gt3A = arith.constant 0.000000e+00 : f32
      %gt3A_223 = vector.broadcast %gt3A : f32 to vector<16xf32>
      %gt3A_224 = arith.cmpf ogt, %get3A_214, %gt3A_223 : vector<16xf32>
      %convert_element_type3A = arith.extui %gt3A_224 : vector<16xi1> to vector<16xi32>
      %mul3A_225 = arith.constant 4 : i32
      %mul3A_226 = vector.broadcast %mul3A_225 : i32 to vector<16xi32>
      %mul3A_227 = arith.muli %convert_element_type3A, %mul3A_226 : vector<16xi32>
      %gt3A_228 = arith.constant 0.000000e+00 : f32
      %gt3A_229 = vector.broadcast %gt3A_228 : f32 to vector<16xf32>
      %gt3A_230 = arith.cmpf ogt, %get3A_218, %gt3A_229 : vector<16xf32>
      %convert_element_type3A_231 = arith.extui %gt3A_230 : vector<16xi1> to vector<16xi32>
      %mul3A_232 = arith.constant 2 : i32
      %mul3A_233 = vector.broadcast %mul3A_232 : i32 to vector<16xi32>
      %mul3A_234 = arith.muli %convert_element_type3A_231, %mul3A_233 : vector<16xi32>
      %add3A_235 = arith.addi %mul3A_227, %mul3A_234 : vector<16xi32>
      %gt3A_236 = arith.constant 0.000000e+00 : f32
      %gt3A_237 = vector.broadcast %gt3A_236 : f32 to vector<16xf32>
      %gt3A_238 = arith.cmpf ogt, %get3A_222, %gt3A_237 : vector<16xf32>
      %convert_element_type3A_239 = arith.extui %gt3A_238 : vector<16xi1> to vector<16xi32>
      %add3A_240 = arith.addi %add3A_235, %convert_element_type3A_239 : vector<16xi32>
      %mul3A_241 = arith.mulf %get3A_214, %get3A_214 : vector<16xf32>
      %mul3A_242 = arith.mulf %get3A_218, %get3A_218 : vector<16xf32>
      %add3A_243 = arith.addf %mul3A_241, %mul3A_242 : vector<16xf32>
      %mul3A_244 = arith.mulf %get3A_222, %get3A_222 : vector<16xf32>
      %add3A_245 = arith.addf %add3A_243, %mul3A_244 : vector<16xf32>
      %le3A = arith.constant 1.000000e+00 : f32
      %le3A_246 = vector.broadcast %le3A : f32 to vector<16xf32>
      %le3A_247 = arith.cmpf ole, %add3A_245, %le3A_246 : vector<16xf32>
      %lt3A = arith.constant 4 : i32
      %lt3A_248 = vector.broadcast %lt3A : i32 to vector<16xi32>
      %lt3A_249 = arith.cmpi slt, %add3A_240, %lt3A_248 : vector<16xi32>
      %and3A = arith.constant 3 : i32
      %and3A_250 = vector.broadcast %and3A : i32 to vector<16xi32>
      %and3A_251 = arith.andi %add3A_240, %and3A_250 : vector<16xi32>
      %shift_left3A = arith.constant 3 : i32
      %shift_left3A_252 = vector.broadcast %shift_left3A : i32 to vector<16xi32>
      %shift_left3A_253 = arith.shli %and3A_251, %shift_left3A_252 : vector<16xi32>
      %shift_left3A_254 = arith.constant 1 : i32
      %shift_left3A_255 = vector.broadcast %shift_left3A_254 : i32 to vector<16xi32>
      %shift_left3A_256 = arith.shli %shift_left3A_255, %shift_left3A_253 : vector<16xi32>
      %broadcast_in_dim3A_257 = arith.constant 0 : i32
      %broadcast_in_dim3A_258 = vector.broadcast %broadcast_in_dim3A_257 : i32 to vector<16xi32>
      %and3A_259 = arith.andi %le3A_247, %lt3A_249 : vector<16xi1>
      %select_n3A = arith.select %and3A_259, %shift_left3A_256, %broadcast_in_dim3A_258 : vector<16xi1>, vector<16xi32>
      %not3A = arith.constant dense<true> : vector<16xi1>
      %not3A_260 = arith.xori %lt3A_249, %not3A : vector<16xi1>
      %and3A_261 = arith.andi %le3A_247, %not3A_260 : vector<16xi1>
      %select_n3A_262 = arith.select %and3A_261, %shift_left3A_256, %broadcast_in_dim3A_258 : vector<16xi1>, vector<16xi32>
      %broadcast_in_dim3A_263 = arith.constant true
      %broadcast_in_dim3A_264 = vector.broadcast %broadcast_in_dim3A_263 : i1 to vector<16xi1>
      %masked_cumsum3A = tpu.scan <sum>, %select_n3A masked %broadcast_in_dim3A_264 : vector<16xi32>, vector<16xi1> -> vector<16xi32>
      %broadcast_in_dim3A_265 = arith.constant true
      %broadcast_in_dim3A_266 = vector.broadcast %broadcast_in_dim3A_265 : i1 to vector<16xi1>
      %masked_cumsum3A_267 = tpu.scan <sum>, %select_n3A_262 masked %broadcast_in_dim3A_266 : vector<16xi32>, vector<16xi1> -> vector<16xi32>
      %add3A_268 = arith.addi %masked_cumsum3A, %while3A_205 : vector<16xi32>
      %add3A_269 = arith.addi %masked_cumsum3A_267, %while3A_206 : vector<16xi32>
      %select_n3A_270 = arith.select %lt3A_249, %add3A_268, %add3A_269 : vector<16xi1>, vector<16xi32>
      %shift_right_arithmetic3A = arith.shrsi %select_n3A_270, %shift_left3A_253 : vector<16xi32>
      %and3A_271 = arith.constant 255 : i32
      %and3A_272 = vector.broadcast %and3A_271 : i32 to vector<16xi32>
      %and3A_273 = arith.andi %shift_right_arithmetic3A, %and3A_272 : vector<16xi32>
      %sub3A = arith.constant 1 : i32
      %sub3A_274 = vector.broadcast %sub3A : i32 to vector<16xi32>
      %sub3A_275 = arith.subi %and3A_273, %sub3A_274 : vector<16xi32>
      %lt3A_276 = arith.constant 64 : i32
      %lt3A_277 = vector.broadcast %lt3A_276 : i32 to vector<16xi32>
      %lt3A_278 = arith.cmpi slt, %sub3A_275, %lt3A_277 : vector<16xi32>
      %and3A_279 = arith.andi %le3A_247, %lt3A_278 : vector<16xi1>
      %jit3A = arith.constant 0 : i32
      %broadcast_in_dim3A_280 = vector.broadcast %jit3A : i32 to vector<16xi32>
      %select_n3A_281 = arith.select %and3A_279, %sub3A_275, %broadcast_in_dim3A_280 : vector<16xi1>, vector<16xi32>
      %add3A_282 = vector.broadcast %mul3A_211 : i32 to vector<16xi32>
      %add3A_283 = arith.addi %iota3A, %add3A_282 : vector<16xi32>
      tpu.vector_store_idx %arg5[%add3A_240, %select_n3A_281], %add3A_283 masked %and3A_279 : memref<8x64xi32, #tpu.memory_space<vmem>>[vector<16xi32>, vector<16xi32>], vector<16xi32>, vector<16xi1>
      %lt3A_284 = arith.constant 0 : i32
      %lt3A_285 = vector.broadcast %lt3A_284 : i32 to vector<16xi32>
      %lt3A_286 = arith.cmpi slt, %broadcast_in_dim3A_163, %lt3A_285 : vector<16xi32>
      %add3A_287 = arith.constant 16 : i32
      %add3A_288 = vector.broadcast %add3A_287 : i32 to vector<16xi32>
      %add3A_289 = arith.addi %broadcast_in_dim3A_163, %add3A_288 : vector<16xi32>
      %select_n3A_290 = arith.select %lt3A_286, %add3A_289, %broadcast_in_dim3A_163 : vector<16xi1>, vector<16xi32>
      %broadcast_in_dim3A_291 = vector.shape_cast %select_n3A_290 : vector<16xi32> to vector<16x1xi32>
      %gather3A = vector.shape_cast %broadcast_in_dim3A_291 : vector<16x1xi32> to vector<16xi32>
      %gather3A_292 = tpu.dynamic_gather %masked_cumsum3A[%gather3A] in [0] : vector<16xi32>, vector<16xi32> -> vector<16xi32>
      %lt3A_293 = arith.constant 0 : i32
      %lt3A_294 = vector.broadcast %lt3A_293 : i32 to vector<16xi32>
      %lt3A_295 = arith.cmpi slt, %broadcast_in_dim3A_163, %lt3A_294 : vector<16xi32>
      %add3A_296 = arith.constant 16 : i32
      %add3A_297 = vector.broadcast %add3A_296 : i32 to vector<16xi32>
      %add3A_298 = arith.addi %broadcast_in_dim3A_163, %add3A_297 : vector<16xi32>
      %select_n3A_299 = arith.select %lt3A_295, %add3A_298, %broadcast_in_dim3A_163 : vector<16xi1>, vector<16xi32>
      %broadcast_in_dim3A_300 = vector.shape_cast %select_n3A_299 : vector<16xi32> to vector<16x1xi32>
      %gather3A_301 = vector.shape_cast %broadcast_in_dim3A_300 : vector<16x1xi32> to vector<16xi32>
      %gather3A_302 = tpu.dynamic_gather %masked_cumsum3A_267[%gather3A_301] in [0] : vector<16xi32>, vector<16xi32> -> vector<16xi32>
      %add3A_303 = arith.addi %while3A_205, %gather3A_292 : vector<16xi32>
      %add3A_304 = arith.addi %while3A_206, %gather3A_302 : vector<16xi32>
      %add3A_305 = arith.constant 1 : i32
      %add3A_306 = arith.addi %while3A_204, %add3A_305 : i32
      %mul3A_307 = arith.constant 16 : i32
      %mul3A_308 = arith.muli %add3A_306, %mul3A_307 : i32
      %get3A_309 = arith.constant 0 : i32
      %get3A_310 = arith.index_cast %get3A_309 : i32 to index
      %get3A_311 = arith.index_cast %mul3A_308 : i32 to index
      %get3A_312 = tpu.vector_load %arg4[%get3A_310, %get3A_311] {strides = array<i32>} : memref<3x16384xf32, #tpu.memory_space<vmem>>, vector<16xf32>,
      %get3A_313 = arith.constant 1 : i32
      %get3A_314 = arith.index_cast %get3A_313 : i32 to index
      %get3A_315 = arith.index_cast %mul3A_308 : i32 to index
      %get3A_316 = tpu.vector_load %arg4[%get3A_314, %get3A_315] {strides = array<i32>} : memref<3x16384xf32, #tpu.memory_space<vmem>>, vector<16xf32>,
      %get3A_317 = arith.constant 2 : i32
      %get3A_318 = arith.index_cast %get3A_317 : i32 to index
      %get3A_319 = arith.index_cast %mul3A_308 : i32 to index
      %get3A_320 = tpu.vector_load %arg4[%get3A_318, %get3A_319] {strides = array<i32>} : memref<3x16384xf32, #tpu.memory_space<vmem>>, vector<16xf32>,
      %gt3A_321 = arith.constant 0.000000e+00 : f32
      %gt3A_322 = vector.broadcast %gt3A_321 : f32 to vector<16xf32>
      %gt3A_323 = arith.cmpf ogt, %get3A_312, %gt3A_322 : vector<16xf32>
      %convert_element_type3A_324 = arith.extui %gt3A_323 : vector<16xi1> to vector<16xi32>
      %mul3A_325 = arith.constant 4 : i32
      %mul3A_326 = vector.broadcast %mul3A_325 : i32 to vector<16xi32>
      %mul3A_327 = arith.muli %convert_element_type3A_324, %mul3A_326 : vector<16xi32>
      %gt3A_328 = arith.constant 0.000000e+00 : f32
      %gt3A_329 = vector.broadcast %gt3A_328 : f32 to vector<16xf32>
      %gt3A_330 = arith.cmpf ogt, %get3A_316, %gt3A_329 : vector<16xf32>
      %convert_element_type3A_331 = arith.extui %gt3A_330 : vector<16xi1> to vector<16xi32>
      %mul3A_332 = arith.constant 2 : i32
      %mul3A_333 = vector.broadcast %mul3A_332 : i32 to vector<16xi32>
      %mul3A_334 = arith.muli %convert_element_type3A_331, %mul3A_333 : vector<16xi32>
      %add3A_335 = arith.addi %mul3A_327, %mul3A_334 : vector<16xi32>
      %gt3A_336 = arith.constant 0.000000e+00 : f32
      %gt3A_337 = vector.broadcast %gt3A_336 : f32 to vector<16xf32>
      %gt3A_338 = arith.cmpf ogt, %get3A_320, %gt3A_337 : vector<16xf32>
      %convert_element_type3A_339 = arith.extui %gt3A_338 : vector<16xi1> to vector<16xi32>
      %add3A_340 = arith.addi %add3A_335, %convert_element_type3A_339 : vector<16xi32>
      %mul3A_341 = arith.mulf %get3A_312, %get3A_312 : vector<16xf32>
      %mul3A_342 = arith.mulf %get3A_316, %get3A_316 : vector<16xf32>
      %add3A_343 = arith.addf %mul3A_341, %mul3A_342 : vector<16xf32>
      %mul3A_344 = arith.mulf %get3A_320, %get3A_320 : vector<16xf32>
      %add3A_345 = arith.addf %add3A_343, %mul3A_344 : vector<16xf32>
      %le3A_346 = arith.constant 1.000000e+00 : f32
      %le3A_347 = vector.broadcast %le3A_346 : f32 to vector<16xf32>
      %le3A_348 = arith.cmpf ole, %add3A_345, %le3A_347 : vector<16xf32>
      %lt3A_349 = arith.constant 4 : i32
      %lt3A_350 = vector.broadcast %lt3A_349 : i32 to vector<16xi32>
      %lt3A_351 = arith.cmpi slt, %add3A_340, %lt3A_350 : vector<16xi32>
      %and3A_352 = arith.constant 3 : i32
      %and3A_353 = vector.broadcast %and3A_352 : i32 to vector<16xi32>
      %and3A_354 = arith.andi %add3A_340, %and3A_353 : vector<16xi32>
      %shift_left3A_355 = arith.constant 3 : i32
      %shift_left3A_356 = vector.broadcast %shift_left3A_355 : i32 to vector<16xi32>
      %shift_left3A_357 = arith.shli %and3A_354, %shift_left3A_356 : vector<16xi32>
      %shift_left3A_358 = arith.constant 1 : i32
      %shift_left3A_359 = vector.broadcast %shift_left3A_358 : i32 to vector<16xi32>
      %shift_left3A_360 = arith.shli %shift_left3A_359, %shift_left3A_357 : vector<16xi32>
      %broadcast_in_dim3A_361 = arith.constant 0 : i32
      %broadcast_in_dim3A_362 = vector.broadcast %broadcast_in_dim3A_361 : i32 to vector<16xi32>
      %and3A_363 = arith.andi %le3A_348, %lt3A_351 : vector<16xi1>
      %select_n3A_364 = arith.select %and3A_363, %shift_left3A_360, %broadcast_in_dim3A_362 : vector<16xi1>, vector<16xi32>
      %not3A_365 = arith.constant dense<true> : vector<16xi1>
      %not3A_366 = arith.xori %lt3A_351, %not3A_365 : vector<16xi1>
      %and3A_367 = arith.andi %le3A_348, %not3A_366 : vector<16xi1>
      %select_n3A_368 = arith.select %and3A_367, %shift_left3A_360, %broadcast_in_dim3A_362 : vector<16xi1>, vector<16xi32>
      %broadcast_in_dim3A_369 = arith.constant true
      %broadcast_in_dim3A_370 = vector.broadcast %broadcast_in_dim3A_369 : i1 to vector<16xi1>
      %masked_cumsum3A_371 = tpu.scan <sum>, %select_n3A_364 masked %broadcast_in_dim3A_370 : vector<16xi32>, vector<16xi1> -> vector<16xi32>
      %broadcast_in_dim3A_372 = arith.constant true
      %broadcast_in_dim3A_373 = vector.broadcast %broadcast_in_dim3A_372 : i1 to vector<16xi1>
      %masked_cumsum3A_374 = tpu.scan <sum>, %select_n3A_368 masked %broadcast_in_dim3A_373 : vector<16xi32>, vector<16xi1> -> vector<16xi32>
      %add3A_375 = arith.addi %masked_cumsum3A_371, %add3A_303 : vector<16xi32>
      %add3A_376 = arith.addi %masked_cumsum3A_374, %add3A_304 : vector<16xi32>
      %select_n3A_377 = arith.select %lt3A_351, %add3A_375, %add3A_376 : vector<16xi1>, vector<16xi32>
      %shift_right_arithmetic3A_378 = arith.shrsi %select_n3A_377, %shift_left3A_357 : vector<16xi32>
      %and3A_379 = arith.constant 255 : i32
      %and3A_380 = vector.broadcast %and3A_379 : i32 to vector<16xi32>
      %and3A_381 = arith.andi %shift_right_arithmetic3A_378, %and3A_380 : vector<16xi32>
      %sub3A_382 = arith.constant 1 : i32
      %sub3A_383 = vector.broadcast %sub3A_382 : i32 to vector<16xi32>
      %sub3A_384 = arith.subi %and3A_381, %sub3A_383 : vector<16xi32>
      %lt3A_385 = arith.constant 64 : i32
      %lt3A_386 = vector.broadcast %lt3A_385 : i32 to vector<16xi32>
      %lt3A_387 = arith.cmpi slt, %sub3A_384, %lt3A_386 : vector<16xi32>
      %and3A_388 = arith.andi %le3A_348, %lt3A_387 : vector<16xi1>
      %jit3A_389 = arith.constant 0 : i32
      %broadcast_in_dim3A_390 = vector.broadcast %jit3A_389 : i32 to vector<16xi32>
      %select_n3A_391 = arith.select %and3A_388, %sub3A_384, %broadcast_in_dim3A_390 : vector<16xi1>, vector<16xi32>
      %add3A_392 = vector.broadcast %mul3A_308 : i32 to vector<16xi32>
      %add3A_393 = arith.addi %iota3A, %add3A_392 : vector<16xi32>
      tpu.vector_store_idx %arg5[%add3A_340, %select_n3A_391], %add3A_393 masked %and3A_388 : memref<8x64xi32, #tpu.memory_space<vmem>>[vector<16xi32>, vector<16xi32>], vector<16xi32>, vector<16xi1>
      %lt3A_394 = arith.constant 0 : i32
      %lt3A_395 = vector.broadcast %lt3A_394 : i32 to vector<16xi32>
      %lt3A_396 = arith.cmpi slt, %broadcast_in_dim3A_163, %lt3A_395 : vector<16xi32>
      %add3A_397 = arith.constant 16 : i32
      %add3A_398 = vector.broadcast %add3A_397 : i32 to vector<16xi32>
      %add3A_399 = arith.addi %broadcast_in_dim3A_163, %add3A_398 : vector<16xi32>
      %select_n3A_400 = arith.select %lt3A_396, %add3A_399, %broadcast_in_dim3A_163 : vector<16xi1>, vector<16xi32>
      %broadcast_in_dim3A_401 = vector.shape_cast %select_n3A_400 : vector<16xi32> to vector<16x1xi32>
      %gather3A_402 = vector.shape_cast %broadcast_in_dim3A_401 : vector<16x1xi32> to vector<16xi32>
      %gather3A_403 = tpu.dynamic_gather %masked_cumsum3A_371[%gather3A_402] in [0] : vector<16xi32>, vector<16xi32> -> vector<16xi32>
      %lt3A_404 = arith.constant 0 : i32
      %lt3A_405 = vector.broadcast %lt3A_404 : i32 to vector<16xi32>
      %lt3A_406 = arith.cmpi slt, %broadcast_in_dim3A_163, %lt3A_405 : vector<16xi32>
      %add3A_407 = arith.constant 16 : i32
      %add3A_408 = vector.broadcast %add3A_407 : i32 to vector<16xi32>
      %add3A_409 = arith.addi %broadcast_in_dim3A_163, %add3A_408 : vector<16xi32>
      %select_n3A_410 = arith.select %lt3A_406, %add3A_409, %broadcast_in_dim3A_163 : vector<16xi1>, vector<16xi32>
      %broadcast_in_dim3A_411 = vector.shape_cast %select_n3A_410 : vector<16xi32> to vector<16x1xi32>
      %gather3A_412 = vector.shape_cast %broadcast_in_dim3A_411 : vector<16x1xi32> to vector<16xi32>
      %gather3A_413 = tpu.dynamic_gather %masked_cumsum3A_374[%gather3A_412] in [0] : vector<16xi32>, vector<16xi32> -> vector<16xi32>
      %add3A_414 = arith.addi %add3A_303, %gather3A_403 : vector<16xi32>
      %add3A_415 = arith.addi %add3A_304, %gather3A_413 : vector<16xi32>
      %add3A_416 = arith.constant 2 : i32
      %add3A_417 = arith.addi %while3A_204, %add3A_416 : i32
      %mul3A_418 = arith.constant 16 : i32
      %mul3A_419 = arith.muli %add3A_417, %mul3A_418 : i32
      %get3A_420 = arith.constant 0 : i32
      %get3A_421 = arith.index_cast %get3A_420 : i32 to index
      %get3A_422 = arith.index_cast %mul3A_419 : i32 to index
      %get3A_423 = tpu.vector_load %arg4[%get3A_421, %get3A_422] {strides = array<i32>} : memref<3x16384xf32, #tpu.memory_space<vmem>>, vector<16xf32>,
      %get3A_424 = arith.constant 1 : i32
      %get3A_425 = arith.index_cast %get3A_424 : i32 to index
      %get3A_426 = arith.index_cast %mul3A_419 : i32 to index
      %get3A_427 = tpu.vector_load %arg4[%get3A_425, %get3A_426] {strides = array<i32>} : memref<3x16384xf32, #tpu.memory_space<vmem>>, vector<16xf32>,
      %get3A_428 = arith.constant 2 : i32
      %get3A_429 = arith.index_cast %get3A_428 : i32 to index
      %get3A_430 = arith.index_cast %mul3A_419 : i32 to index
      %get3A_431 = tpu.vector_load %arg4[%get3A_429, %get3A_430] {strides = array<i32>} : memref<3x16384xf32, #tpu.memory_space<vmem>>, vector<16xf32>,
      %gt3A_432 = arith.constant 0.000000e+00 : f32
      %gt3A_433 = vector.broadcast %gt3A_432 : f32 to vector<16xf32>
      %gt3A_434 = arith.cmpf ogt, %get3A_423, %gt3A_433 : vector<16xf32>
      %convert_element_type3A_435 = arith.extui %gt3A_434 : vector<16xi1> to vector<16xi32>
      %mul3A_436 = arith.constant 4 : i32
      %mul3A_437 = vector.broadcast %mul3A_436 : i32 to vector<16xi32>
      %mul3A_438 = arith.muli %convert_element_type3A_435, %mul3A_437 : vector<16xi32>
      %gt3A_439 = arith.constant 0.000000e+00 : f32
      %gt3A_440 = vector.broadcast %gt3A_439 : f32 to vector<16xf32>
      %gt3A_441 = arith.cmpf ogt, %get3A_427, %gt3A_440 : vector<16xf32>
      %convert_element_type3A_442 = arith.extui %gt3A_441 : vector<16xi1> to vector<16xi32>
      %mul3A_443 = arith.constant 2 : i32
      %mul3A_444 = vector.broadcast %mul3A_443 : i32 to vector<16xi32>
      %mul3A_445 = arith.muli %convert_element_type3A_442, %mul3A_444 : vector<16xi32>
      %add3A_446 = arith.addi %mul3A_438, %mul3A_445 : vector<16xi32>
      %gt3A_447 = arith.constant 0.000000e+00 : f32
      %gt3A_448 = vector.broadcast %gt3A_447 : f32 to vector<16xf32>
      %gt3A_449 = arith.cmpf ogt, %get3A_431, %gt3A_448 : vector<16xf32>
      %convert_element_type3A_450 = arith.extui %gt3A_449 : vector<16xi1> to vector<16xi32>
      %add3A_451 = arith.addi %add3A_446, %convert_element_type3A_450 : vector<16xi32>
      %mul3A_452 = arith.mulf %get3A_423, %get3A_423 : vector<16xf32>
      %mul3A_453 = arith.mulf %get3A_427, %get3A_427 : vector<16xf32>
      %add3A_454 = arith.addf %mul3A_452, %mul3A_453 : vector<16xf32>
      %mul3A_455 = arith.mulf %get3A_431, %get3A_431 : vector<16xf32>
      %add3A_456 = arith.addf %add3A_454, %mul3A_455 : vector<16xf32>
      %le3A_457 = arith.constant 1.000000e+00 : f32
      %le3A_458 = vector.broadcast %le3A_457 : f32 to vector<16xf32>
      %le3A_459 = arith.cmpf ole, %add3A_456, %le3A_458 : vector<16xf32>
      %lt3A_460 = arith.constant 4 : i32
      %lt3A_461 = vector.broadcast %lt3A_460 : i32 to vector<16xi32>
      %lt3A_462 = arith.cmpi slt, %add3A_451, %lt3A_461 : vector<16xi32>
      %and3A_463 = arith.constant 3 : i32
      %and3A_464 = vector.broadcast %and3A_463 : i32 to vector<16xi32>
      %and3A_465 = arith.andi %add3A_451, %and3A_464 : vector<16xi32>
      %shift_left3A_466 = arith.constant 3 : i32
      %shift_left3A_467 = vector.broadcast %shift_left3A_466 : i32 to vector<16xi32>
      %shift_left3A_468 = arith.shli %and3A_465, %shift_left3A_467 : vector<16xi32>
      %shift_left3A_469 = arith.constant 1 : i32
      %shift_left3A_470 = vector.broadcast %shift_left3A_469 : i32 to vector<16xi32>
      %shift_left3A_471 = arith.shli %shift_left3A_470, %shift_left3A_468 : vector<16xi32>
      %broadcast_in_dim3A_472 = arith.constant 0 : i32
      %broadcast_in_dim3A_473 = vector.broadcast %broadcast_in_dim3A_472 : i32 to vector<16xi32>
      %and3A_474 = arith.andi %le3A_459, %lt3A_462 : vector<16xi1>
      %select_n3A_475 = arith.select %and3A_474, %shift_left3A_471, %broadcast_in_dim3A_473 : vector<16xi1>, vector<16xi32>
      %not3A_476 = arith.constant dense<true> : vector<16xi1>
      %not3A_477 = arith.xori %lt3A_462, %not3A_476 : vector<16xi1>
      %and3A_478 = arith.andi %le3A_459, %not3A_477 : vector<16xi1>
      %select_n3A_479 = arith.select %and3A_478, %shift_left3A_471, %broadcast_in_dim3A_473 : vector<16xi1>, vector<16xi32>
      %broadcast_in_dim3A_480 = arith.constant true
      %broadcast_in_dim3A_481 = vector.broadcast %broadcast_in_dim3A_480 : i1 to vector<16xi1>
      %masked_cumsum3A_482 = tpu.scan <sum>, %select_n3A_475 masked %broadcast_in_dim3A_481 : vector<16xi32>, vector<16xi1> -> vector<16xi32>
      %broadcast_in_dim3A_483 = arith.constant true
      %broadcast_in_dim3A_484 = vector.broadcast %broadcast_in_dim3A_483 : i1 to vector<16xi1>
      %masked_cumsum3A_485 = tpu.scan <sum>, %select_n3A_479 masked %broadcast_in_dim3A_484 : vector<16xi32>, vector<16xi1> -> vector<16xi32>
      %add3A_486 = arith.addi %masked_cumsum3A_482, %add3A_414 : vector<16xi32>
      %add3A_487 = arith.addi %masked_cumsum3A_485, %add3A_415 : vector<16xi32>
      %select_n3A_488 = arith.select %lt3A_462, %add3A_486, %add3A_487 : vector<16xi1>, vector<16xi32>
      %shift_right_arithmetic3A_489 = arith.shrsi %select_n3A_488, %shift_left3A_468 : vector<16xi32>
      %and3A_490 = arith.constant 255 : i32
      %and3A_491 = vector.broadcast %and3A_490 : i32 to vector<16xi32>
      %and3A_492 = arith.andi %shift_right_arithmetic3A_489, %and3A_491 : vector<16xi32>
      %sub3A_493 = arith.constant 1 : i32
      %sub3A_494 = vector.broadcast %sub3A_493 : i32 to vector<16xi32>
      %sub3A_495 = arith.subi %and3A_492, %sub3A_494 : vector<16xi32>
      %lt3A_496 = arith.constant 64 : i32
      %lt3A_497 = vector.broadcast %lt3A_496 : i32 to vector<16xi32>
      %lt3A_498 = arith.cmpi slt, %sub3A_495, %lt3A_497 : vector<16xi32>
      %and3A_499 = arith.andi %le3A_459, %lt3A_498 : vector<16xi1>
      %jit3A_500 = arith.constant 0 : i32
      %broadcast_in_dim3A_501 = vector.broadcast %jit3A_500 : i32 to vector<16xi32>
      %select_n3A_502 = arith.select %and3A_499, %sub3A_495, %broadcast_in_dim3A_501 : vector<16xi1>, vector<16xi32>
      %add3A_503 = vector.broadcast %mul3A_419 : i32 to vector<16xi32>
      %add3A_504 = arith.addi %iota3A, %add3A_503 : vector<16xi32>
      tpu.vector_store_idx %arg5[%add3A_451, %select_n3A_502], %add3A_504 masked %and3A_499 : memref<8x64xi32, #tpu.memory_space<vmem>>[vector<16xi32>, vector<16xi32>], vector<16xi32>, vector<16xi1>
      %lt3A_505 = arith.constant 0 : i32
      %lt3A_506 = vector.broadcast %lt3A_505 : i32 to vector<16xi32>
      %lt3A_507 = arith.cmpi slt, %broadcast_in_dim3A_163, %lt3A_506 : vector<16xi32>
      %add3A_508 = arith.constant 16 : i32
      %add3A_509 = vector.broadcast %add3A_508 : i32 to vector<16xi32>
      %add3A_510 = arith.addi %broadcast_in_dim3A_163, %add3A_509 : vector<16xi32>
      %select_n3A_511 = arith.select %lt3A_507, %add3A_510, %broadcast_in_dim3A_163 : vector<16xi1>, vector<16xi32>
      %broadcast_in_dim3A_512 = vector.shape_cast %select_n3A_511 : vector<16xi32> to vector<16x1xi32>
      %gather3A_513 = vector.shape_cast %broadcast_in_dim3A_512 : vector<16x1xi32> to vector<16xi32>
      %gather3A_514 = tpu.dynamic_gather %masked_cumsum3A_482[%gather3A_513] in [0] : vector<16xi32>, vector<16xi32> -> vector<16xi32>
      %lt3A_515 = arith.constant 0 : i32
      %lt3A_516 = vector.broadcast %lt3A_515 : i32 to vector<16xi32>
      %lt3A_517 = arith.cmpi slt, %broadcast_in_dim3A_163, %lt3A_516 : vector<16xi32>
      %add3A_518 = arith.constant 16 : i32
      %add3A_519 = vector.broadcast %add3A_518 : i32 to vector<16xi32>
      %add3A_520 = arith.addi %broadcast_in_dim3A_163, %add3A_519 : vector<16xi32>
      %select_n3A_521 = arith.select %lt3A_517, %add3A_520, %broadcast_in_dim3A_163 : vector<16xi1>, vector<16xi32>
      %broadcast_in_dim3A_522 = vector.shape_cast %select_n3A_521 : vector<16xi32> to vector<16x1xi32>
      %gather3A_523 = vector.shape_cast %broadcast_in_dim3A_522 : vector<16x1xi32> to vector<16xi32>
      %gather3A_524 = tpu.dynamic_gather %masked_cumsum3A_485[%gather3A_523] in [0] : vector<16xi32>, vector<16xi32> -> vector<16xi32>
      %add3A_525 = arith.addi %add3A_414, %gather3A_514 : vector<16xi32>
      %add3A_526 = arith.addi %add3A_415, %gather3A_524 : vector<16xi32>
      %add3A_527 = arith.constant 3 : i32
      %add3A_528 = arith.addi %while3A_204, %add3A_527 : i32
      %mul3A_529 = arith.constant 16 : i32
      %mul3A_530 = arith.muli %add3A_528, %mul3A_529 : i32
      %get3A_531 = arith.constant 0 : i32
      %get3A_532 = arith.index_cast %get3A_531 : i32 to index
      %get3A_533 = arith.index_cast %mul3A_530 : i32 to index
      %get3A_534 = tpu.vector_load %arg4[%get3A_532, %get3A_533] {strides = array<i32>} : memref<3x16384xf32, #tpu.memory_space<vmem>>, vector<16xf32>,
      %get3A_535 = arith.constant 1 : i32
      %get3A_536 = arith.index_cast %get3A_535 : i32 to index
      %get3A_537 = arith.index_cast %mul3A_530 : i32 to index
      %get3A_538 = tpu.vector_load %arg4[%get3A_536, %get3A_537] {strides = array<i32>} : memref<3x16384xf32, #tpu.memory_space<vmem>>, vector<16xf32>,
      %get3A_539 = arith.constant 2 : i32
      %get3A_540 = arith.index_cast %get3A_539 : i32 to index
      %get3A_541 = arith.index_cast %mul3A_530 : i32 to index
      %get3A_542 = tpu.vector_load %arg4[%get3A_540, %get3A_541] {strides = array<i32>} : memref<3x16384xf32, #tpu.memory_space<vmem>>, vector<16xf32>,
      %gt3A_543 = arith.constant 0.000000e+00 : f32
      %gt3A_544 = vector.broadcast %gt3A_543 : f32 to vector<16xf32>
      %gt3A_545 = arith.cmpf ogt, %get3A_534, %gt3A_544 : vector<16xf32>
      %convert_element_type3A_546 = arith.extui %gt3A_545 : vector<16xi1> to vector<16xi32>
      %mul3A_547 = arith.constant 4 : i32
      %mul3A_548 = vector.broadcast %mul3A_547 : i32 to vector<16xi32>
      %mul3A_549 = arith.muli %convert_element_type3A_546, %mul3A_548 : vector<16xi32>
      %gt3A_550 = arith.constant 0.000000e+00 : f32
      %gt3A_551 = vector.broadcast %gt3A_550 : f32 to vector<16xf32>
      %gt3A_552 = arith.cmpf ogt, %get3A_538, %gt3A_551 : vector<16xf32>
      %convert_element_type3A_553 = arith.extui %gt3A_552 : vector<16xi1> to vector<16xi32>
      %mul3A_554 = arith.constant 2 : i32
      %mul3A_555 = vector.broadcast %mul3A_554 : i32 to vector<16xi32>
      %mul3A_556 = arith.muli %convert_element_type3A_553, %mul3A_555 : vector<16xi32>
      %add3A_557 = arith.addi %mul3A_549, %mul3A_556 : vector<16xi32>
      %gt3A_558 = arith.constant 0.000000e+00 : f32
      %gt3A_559 = vector.broadcast %gt3A_558 : f32 to vector<16xf32>
      %gt3A_560 = arith.cmpf ogt, %get3A_542, %gt3A_559 : vector<16xf32>
      %convert_element_type3A_561 = arith.extui %gt3A_560 : vector<16xi1> to vector<16xi32>
      %add3A_562 = arith.addi %add3A_557, %convert_element_type3A_561 : vector<16xi32>
      %mul3A_563 = arith.mulf %get3A_534, %get3A_534 : vector<16xf32>
      %mul3A_564 = arith.mulf %get3A_538, %get3A_538 : vector<16xf32>
      %add3A_565 = arith.addf %mul3A_563, %mul3A_564 : vector<16xf32>
      %mul3A_566 = arith.mulf %get3A_542, %get3A_542 : vector<16xf32>
      %add3A_567 = arith.addf %add3A_565, %mul3A_566 : vector<16xf32>
      %le3A_568 = arith.constant 1.000000e+00 : f32
      %le3A_569 = vector.broadcast %le3A_568 : f32 to vector<16xf32>
      %le3A_570 = arith.cmpf ole, %add3A_567, %le3A_569 : vector<16xf32>
      %lt3A_571 = arith.constant 4 : i32
      %lt3A_572 = vector.broadcast %lt3A_571 : i32 to vector<16xi32>
      %lt3A_573 = arith.cmpi slt, %add3A_562, %lt3A_572 : vector<16xi32>
      %and3A_574 = arith.constant 3 : i32
      %and3A_575 = vector.broadcast %and3A_574 : i32 to vector<16xi32>
      %and3A_576 = arith.andi %add3A_562, %and3A_575 : vector<16xi32>
      %shift_left3A_577 = arith.constant 3 : i32
      %shift_left3A_578 = vector.broadcast %shift_left3A_577 : i32 to vector<16xi32>
      %shift_left3A_579 = arith.shli %and3A_576, %shift_left3A_578 : vector<16xi32>
      %shift_left3A_580 = arith.constant 1 : i32
      %shift_left3A_581 = vector.broadcast %shift_left3A_580 : i32 to vector<16xi32>
      %shift_left3A_582 = arith.shli %shift_left3A_581, %shift_left3A_579 : vector<16xi32>
      %broadcast_in_dim3A_583 = arith.constant 0 : i32
      %broadcast_in_dim3A_584 = vector.broadcast %broadcast_in_dim3A_583 : i32 to vector<16xi32>
      %and3A_585 = arith.andi %le3A_570, %lt3A_573 : vector<16xi1>
      %select_n3A_586 = arith.select %and3A_585, %shift_left3A_582, %broadcast_in_dim3A_584 : vector<16xi1>, vector<16xi32>
      %not3A_587 = arith.constant dense<true> : vector<16xi1>
      %not3A_588 = arith.xori %lt3A_573, %not3A_587 : vector<16xi1>
      %and3A_589 = arith.andi %le3A_570, %not3A_588 : vector<16xi1>
      %select_n3A_590 = arith.select %and3A_589, %shift_left3A_582, %broadcast_in_dim3A_584 : vector<16xi1>, vector<16xi32>
      %broadcast_in_dim3A_591 = arith.constant true
      %broadcast_in_dim3A_592 = vector.broadcast %broadcast_in_dim3A_591 : i1 to vector<16xi1>
      %masked_cumsum3A_593 = tpu.scan <sum>, %select_n3A_586 masked %broadcast_in_dim3A_592 : vector<16xi32>, vector<16xi1> -> vector<16xi32>
      %broadcast_in_dim3A_594 = arith.constant true
      %broadcast_in_dim3A_595 = vector.broadcast %broadcast_in_dim3A_594 : i1 to vector<16xi1>
      %masked_cumsum3A_596 = tpu.scan <sum>, %select_n3A_590 masked %broadcast_in_dim3A_595 : vector<16xi32>, vector<16xi1> -> vector<16xi32>
      %add3A_597 = arith.addi %masked_cumsum3A_593, %add3A_525 : vector<16xi32>
      %add3A_598 = arith.addi %masked_cumsum3A_596, %add3A_526 : vector<16xi32>
      %select_n3A_599 = arith.select %lt3A_573, %add3A_597, %add3A_598 : vector<16xi1>, vector<16xi32>
      %shift_right_arithmetic3A_600 = arith.shrsi %select_n3A_599, %shift_left3A_579 : vector<16xi32>
      %and3A_601 = arith.constant 255 : i32
      %and3A_602 = vector.broadcast %and3A_601 : i32 to vector<16xi32>
      %and3A_603 = arith.andi %shift_right_arithmetic3A_600, %and3A_602 : vector<16xi32>
      %sub3A_604 = arith.constant 1 : i32
      %sub3A_605 = vector.broadcast %sub3A_604 : i32 to vector<16xi32>
      %sub3A_606 = arith.subi %and3A_603, %sub3A_605 : vector<16xi32>
      %lt3A_607 = arith.constant 64 : i32
      %lt3A_608 = vector.broadcast %lt3A_607 : i32 to vector<16xi32>
      %lt3A_609 = arith.cmpi slt, %sub3A_606, %lt3A_608 : vector<16xi32>
      %and3A_610 = arith.andi %le3A_570, %lt3A_609 : vector<16xi1>
      %jit3A_611 = arith.constant 0 : i32
      %broadcast_in_dim3A_612 = vector.broadcast %jit3A_611 : i32 to vector<16xi32>
      %select_n3A_613 = arith.select %and3A_610, %sub3A_606, %broadcast_in_dim3A_612 : vector<16xi1>, vector<16xi32>
      %add3A_614 = vector.broadcast %mul3A_530 : i32 to vector<16xi32>
      %add3A_615 = arith.addi %iota3A, %add3A_614 : vector<16xi32>
      tpu.vector_store_idx %arg5[%add3A_562, %select_n3A_613], %add3A_615 masked %and3A_610 : memref<8x64xi32, #tpu.memory_space<vmem>>[vector<16xi32>, vector<16xi32>], vector<16xi32>, vector<16xi1>
      %lt3A_616 = arith.constant 0 : i32
      %lt3A_617 = vector.broadcast %lt3A_616 : i32 to vector<16xi32>
      %lt3A_618 = arith.cmpi slt, %broadcast_in_dim3A_163, %lt3A_617 : vector<16xi32>
      %add3A_619 = arith.constant 16 : i32
      %add3A_620 = vector.broadcast %add3A_619 : i32 to vector<16xi32>
      %add3A_621 = arith.addi %broadcast_in_dim3A_163, %add3A_620 : vector<16xi32>
      %select_n3A_622 = arith.select %lt3A_618, %add3A_621, %broadcast_in_dim3A_163 : vector<16xi1>, vector<16xi32>
      %broadcast_in_dim3A_623 = vector.shape_cast %select_n3A_622 : vector<16xi32> to vector<16x1xi32>
      %gather3A_624 = vector.shape_cast %broadcast_in_dim3A_623 : vector<16x1xi32> to vector<16xi32>
      %gather3A_625 = tpu.dynamic_gather %masked_cumsum3A_593[%gather3A_624] in [0] : vector<16xi32>, vector<16xi32> -> vector<16xi32>
      %lt3A_626 = arith.constant 0 : i32
      %lt3A_627 = vector.broadcast %lt3A_626 : i32 to vector<16xi32>
      %lt3A_628 = arith.cmpi slt, %broadcast_in_dim3A_163, %lt3A_627 : vector<16xi32>
      %add3A_629 = arith.constant 16 : i32
      %add3A_630 = vector.broadcast %add3A_629 : i32 to vector<16xi32>
      %add3A_631 = arith.addi %broadcast_in_dim3A_163, %add3A_630 : vector<16xi32>
      %select_n3A_632 = arith.select %lt3A_628, %add3A_631, %broadcast_in_dim3A_163 : vector<16xi1>, vector<16xi32>
      %broadcast_in_dim3A_633 = vector.shape_cast %select_n3A_632 : vector<16xi32> to vector<16x1xi32>
      %gather3A_634 = vector.shape_cast %broadcast_in_dim3A_633 : vector<16x1xi32> to vector<16xi32>
      %gather3A_635 = tpu.dynamic_gather %masked_cumsum3A_596[%gather3A_634] in [0] : vector<16xi32>, vector<16xi32> -> vector<16xi32>
      %add3A_636 = arith.addi %add3A_525, %gather3A_625 : vector<16xi32>
      %add3A_637 = arith.addi %add3A_526, %gather3A_635 : vector<16xi32>
      %shift_right_arithmetic3A_638 = arith.constant 6 : i32
      %shift_right_arithmetic3A_639 = vector.broadcast %shift_right_arithmetic3A_638 : i32 to vector<16xi32>
      %shift_right_arithmetic3A_640 = arith.shrsi %add3A_636, %shift_right_arithmetic3A_639 : vector<16xi32>
      %shift_right_arithmetic3A_641 = arith.constant 7 : i32
      %shift_right_arithmetic3A_642 = vector.broadcast %shift_right_arithmetic3A_641 : i32 to vector<16xi32>
      %shift_right_arithmetic3A_643 = arith.shrsi %add3A_636, %shift_right_arithmetic3A_642 : vector<16xi32>
      %or3A = arith.ori %shift_right_arithmetic3A_640, %shift_right_arithmetic3A_643 : vector<16xi32>
      %and3A_644 = arith.constant 16843009 : i32
      %and3A_645 = vector.broadcast %and3A_644 : i32 to vector<16xi32>
      %and3A_646 = arith.andi %or3A, %and3A_645 : vector<16xi32>
      %shift_left3A_647 = arith.constant 8 : i32
      %shift_left3A_648 = vector.broadcast %shift_left3A_647 : i32 to vector<16xi32>
      %shift_left3A_649 = arith.shli %and3A_646, %shift_left3A_648 : vector<16xi32>
      %sub3A_650 = arith.subi %shift_left3A_649, %and3A_646 : vector<16xi32>
      %not3A_651 = arith.constant dense<-1> : vector<16xi32>
      %not3A_652 = arith.xori %sub3A_650, %not3A_651 : vector<16xi32>
      %and3A_653 = arith.andi %add3A_636, %not3A_652 : vector<16xi32>
      %shift_left3A_654 = arith.constant 6 : i32
      %shift_left3A_655 = vector.broadcast %shift_left3A_654 : i32 to vector<16xi32>
      %shift_left3A_656 = arith.shli %and3A_646, %shift_left3A_655 : vector<16xi32>
      %or3A_657 = arith.ori %and3A_653, %shift_left3A_656 : vector<16xi32>
      %shift_right_arithmetic3A_658 = arith.constant 6 : i32
      %shift_right_arithmetic3A_659 = vector.broadcast %shift_right_arithmetic3A_658 : i32 to vector<16xi32>
      %shift_right_arithmetic3A_660 = arith.shrsi %add3A_637, %shift_right_arithmetic3A_659 : vector<16xi32>
      %shift_right_arithmetic3A_661 = arith.constant 7 : i32
      %shift_right_arithmetic3A_662 = vector.broadcast %shift_right_arithmetic3A_661 : i32 to vector<16xi32>
      %shift_right_arithmetic3A_663 = arith.shrsi %add3A_637, %shift_right_arithmetic3A_662 : vector<16xi32>
      %or3A_664 = arith.ori %shift_right_arithmetic3A_660, %shift_right_arithmetic3A_663 : vector<16xi32>
      %and3A_665 = arith.constant 16843009 : i32
      %and3A_666 = vector.broadcast %and3A_665 : i32 to vector<16xi32>
      %and3A_667 = arith.andi %or3A_664, %and3A_666 : vector<16xi32>
      %shift_left3A_668 = arith.constant 8 : i32
      %shift_left3A_669 = vector.broadcast %shift_left3A_668 : i32 to vector<16xi32>
      %shift_left3A_670 = arith.shli %and3A_667, %shift_left3A_669 : vector<16xi32>
      %sub3A_671 = arith.subi %shift_left3A_670, %and3A_667 : vector<16xi32>
      %not3A_672 = arith.constant dense<-1> : vector<16xi32>
      %not3A_673 = arith.xori %sub3A_671, %not3A_672 : vector<16xi32>
      %and3A_674 = arith.andi %add3A_637, %not3A_673 : vector<16xi32>
      %shift_left3A_675 = arith.constant 6 : i32
      %shift_left3A_676 = vector.broadcast %shift_left3A_675 : i32 to vector<16xi32>
      %shift_left3A_677 = arith.shli %and3A_667, %shift_left3A_676 : vector<16xi32>
      %or3A_678 = arith.ori %and3A_674, %shift_left3A_677 : vector<16xi32>
      %eq3A = arith.constant 1077952576 : i32
      %eq3A_679 = vector.broadcast %eq3A : i32 to vector<16xi32>
      %eq3A_680 = arith.cmpi eq, %or3A_657, %eq3A_679 : vector<16xi32>
      %eq3A_681 = arith.constant 1077952576 : i32
      %eq3A_682 = vector.broadcast %eq3A_681 : i32 to vector<16xi32>
      %eq3A_683 = arith.cmpi eq, %or3A_678, %eq3A_682 : vector<16xi32>
      %and3A_684 = arith.andi %eq3A_680, %eq3A_683 : vector<16xi1>
      %reduce_and3A = arith.constant 1.000000e+00 : f32
      %reduce_and3A_685 = arith.constant 0.000000e+00 : f32
      %reduce_and3A_686 = vector.broadcast %reduce_and3A : f32 to vector<16xf32>
      %reduce_and3A_687 = vector.broadcast %reduce_and3A_685 : f32 to vector<16xf32>
      %reduce_and3A_688 = arith.select %and3A_684, %reduce_and3A_686, %reduce_and3A_687 : vector<16xi1>, vector<16xf32>
      %reduce_and3A_689 = arith.constant true
      %reduce_and3A_690 = vector.broadcast %reduce_and3A_689 : i1 to vector<16xi1>
      %reduce_and3A_691 = tpu.scan <min>, %reduce_and3A_688 masked %reduce_and3A_690 : vector<16xf32>, vector<16xi1> -> vector<16xf32>
      %reduce_and3A_692 = vector.extract %reduce_and3A_691[15] : f32 from vector<16xf32>
      %reduce_and3A_693 = arith.constant 0.000000e+00 : f32
      %reduce_and3A_694 = arith.cmpf ogt, %reduce_and3A_692, %reduce_and3A_693 : f32
      %add3A_695 = arith.constant 4 : i32
      %add3A_696 = arith.addi %while3A_204, %add3A_695 : i32
      scf.yield %add3A_696, %or3A_657, %or3A_678, %reduce_and3A_694 : i32, vector<16xi32>, vector<16xi32>, i1
    }
    %dma_wait3A_186 = arith.constant 1 : i32
    %dma_wait3A_187 = arith.constant 0 : i32
    %dma_wait3A_188 = arith.constant 2048 : i32
    %dma_wait3A_189 = tpu.memref_slice %arg4[%dma_wait3A_187, %dma_wait3A_188] : memref<3x16384xf32, #tpu.memory_space<vmem>> -> memref<3x14336xf32, #tpu.memory_space<vmem>>
    %dma_wait3A_190 = arith.constant 0 : i32
    %dma_wait3A_191 = arith.constant 2048 : i32
    %dma_wait3A_192 = tpu.memref_slice %arg2[%dma_wait3A_190, %add3A, %dma_wait3A_191] : memref<3x32x16384xf32, #tpu.memory_space<hbm>> -> memref<3x1x14336xf32, #tpu.memory_space<hbm>>
    %dma_wait3A_193 = tpu.memref_squeeze %dma_wait3A_192 : memref<3x1x14336xf32, #tpu.memory_space<hbm>> -> memref<3x14336xf32, #tpu.memory_space<hbm>>
    %dma_wait3A_194 = tpu.memref_slice %arg6[%dma_wait3A_186] : memref<2x!tpu.dma_semaphore, #tpu.memory_space<semaphore_mem>> -> memref<1x!tpu.dma_semaphore, #tpu.memory_space<semaphore_mem>>
    %dma_wait3A_195 = tpu.memref_squeeze %dma_wait3A_194 : memref<1x!tpu.dma_semaphore, #tpu.memory_space<semaphore_mem>> -> memref<!tpu.dma_semaphore, #tpu.memory_space<semaphore_mem>>
    %dma_wait3A_196 = arith.constant 0 : i32
    %dma_wait3A_197 = arith.constant 2048 : i32
    %dma_wait3A_198 = tpu.memref_slice %arg4[%dma_wait3A_196, %dma_wait3A_197] : memref<3x16384xf32, #tpu.memory_space<vmem>> -> memref<3x14336xf32, #tpu.memory_space<vmem>>
    %dma_wait3A_199 = arith.constant 0 : i32
    %dma_wait3A_200 = arith.constant 2048 : i32
    %dma_wait3A_201 = tpu.memref_slice %arg2[%dma_wait3A_199, %add3A, %dma_wait3A_200] : memref<3x32x16384xf32, #tpu.memory_space<hbm>> -> memref<3x1x14336xf32, #tpu.memory_space<hbm>>
    %dma_wait3A_202 = tpu.memref_squeeze %dma_wait3A_201 : memref<3x1x14336xf32, #tpu.memory_space<hbm>> -> memref<3x14336xf32, #tpu.memory_space<hbm>>
    tpu.wait_dma2 semaphore(%dma_wait3A_195 : memref<!tpu.dma_semaphore, #tpu.memory_space<semaphore_mem>>) src(%dma_wait3A_202 : memref<3x14336xf32, #tpu.memory_space<hbm>>) dst(%dma_wait3A_198 : memref<3x14336xf32, #tpu.memory_space<vmem>>)
    %while3A_203:4 = scf.while (%while3A_204 = %while3A_185#0, %while3A_205 = %while3A_185#1, %while3A_206 = %while3A_185#2, %while3A_207 = %while3A_185#3) : (i32, vector<16xi32>, vector<16xi32>, i1) -> (i32, vector<16xi32>, vector<16xi32>, i1) {
      %lt3A = arith.constant 1024 : i32
      %lt3A_208 = arith.cmpi slt, %while3A_204, %lt3A : i32
      %not3A = arith.constant true
      %not3A_209 = arith.xori %while3A_207, %not3A : i1
      %and3A = arith.andi %lt3A_208, %not3A_209 : i1
      scf.condition(%and3A) %while3A_204, %while3A_205, %while3A_206, %while3A_207 : i32, vector<16xi32>, vector<16xi32>, i1
    } do {
    ^bb0(%while3A_204: i32, %while3A_205: vector<16xi32>, %while3A_206: vector<16xi32>, %while3A_207: i1):
      %add3A_208 = arith.constant 0 : i32
      %add3A_209 = arith.addi %while3A_204, %add3A_208 : i32
      %mul3A_210 = arith.constant 16 : i32
      %mul3A_211 = arith.muli %add3A_209, %mul3A_210 : i32
      %get3A = arith.constant 0 : i32
      %get3A_212 = arith.index_cast %get3A : i32 to index
      %get3A_213 = arith.index_cast %mul3A_211 : i32 to index
      %get3A_214 = tpu.vector_load %arg4[%get3A_212, %get3A_213] {strides = array<i32>} : memref<3x16384xf32, #tpu.memory_space<vmem>>, vector<16xf32>,
      %get3A_215 = arith.constant 1 : i32
      %get3A_216 = arith.index_cast %get3A_215 : i32 to index
      %get3A_217 = arith.index_cast %mul3A_211 : i32 to index
      %get3A_218 = tpu.vector_load %arg4[%get3A_216, %get3A_217] {strides = array<i32>} : memref<3x16384xf32, #tpu.memory_space<vmem>>, vector<16xf32>,
      %get3A_219 = arith.constant 2 : i32
      %get3A_220 = arith.index_cast %get3A_219 : i32 to index
      %get3A_221 = arith.index_cast %mul3A_211 : i32 to index
      %get3A_222 = tpu.vector_load %arg4[%get3A_220, %get3A_221] {strides = array<i32>} : memref<3x16384xf32, #tpu.memory_space<vmem>>, vector<16xf32>,
      %gt3A = arith.constant 0.000000e+00 : f32
      %gt3A_223 = vector.broadcast %gt3A : f32 to vector<16xf32>
      %gt3A_224 = arith.cmpf ogt, %get3A_214, %gt3A_223 : vector<16xf32>
      %convert_element_type3A = arith.extui %gt3A_224 : vector<16xi1> to vector<16xi32>
      %mul3A_225 = arith.constant 4 : i32
      %mul3A_226 = vector.broadcast %mul3A_225 : i32 to vector<16xi32>
      %mul3A_227 = arith.muli %convert_element_type3A, %mul3A_226 : vector<16xi32>
      %gt3A_228 = arith.constant 0.000000e+00 : f32
      %gt3A_229 = vector.broadcast %gt3A_228 : f32 to vector<16xf32>
      %gt3A_230 = arith.cmpf ogt, %get3A_218, %gt3A_229 : vector<16xf32>
      %convert_element_type3A_231 = arith.extui %gt3A_230 : vector<16xi1> to vector<16xi32>
      %mul3A_232 = arith.constant 2 : i32
      %mul3A_233 = vector.broadcast %mul3A_232 : i32 to vector<16xi32>
      %mul3A_234 = arith.muli %convert_element_type3A_231, %mul3A_233 : vector<16xi32>
      %add3A_235 = arith.addi %mul3A_227, %mul3A_234 : vector<16xi32>
      %gt3A_236 = arith.constant 0.000000e+00 : f32
      %gt3A_237 = vector.broadcast %gt3A_236 : f32 to vector<16xf32>
      %gt3A_238 = arith.cmpf ogt, %get3A_222, %gt3A_237 : vector<16xf32>
      %convert_element_type3A_239 = arith.extui %gt3A_238 : vector<16xi1> to vector<16xi32>
      %add3A_240 = arith.addi %add3A_235, %convert_element_type3A_239 : vector<16xi32>
      %mul3A_241 = arith.mulf %get3A_214, %get3A_214 : vector<16xf32>
      %mul3A_242 = arith.mulf %get3A_218, %get3A_218 : vector<16xf32>
      %add3A_243 = arith.addf %mul3A_241, %mul3A_242 : vector<16xf32>
      %mul3A_244 = arith.mulf %get3A_222, %get3A_222 : vector<16xf32>
      %add3A_245 = arith.addf %add3A_243, %mul3A_244 : vector<16xf32>
      %le3A = arith.constant 1.000000e+00 : f32
      %le3A_246 = vector.broadcast %le3A : f32 to vector<16xf32>
      %le3A_247 = arith.cmpf ole, %add3A_245, %le3A_246 : vector<16xf32>
      %lt3A = arith.constant 4 : i32
      %lt3A_248 = vector.broadcast %lt3A : i32 to vector<16xi32>
      %lt3A_249 = arith.cmpi slt, %add3A_240, %lt3A_248 : vector<16xi32>
      %and3A = arith.constant 3 : i32
      %and3A_250 = vector.broadcast %and3A : i32 to vector<16xi32>
      %and3A_251 = arith.andi %add3A_240, %and3A_250 : vector<16xi32>
      %shift_left3A = arith.constant 3 : i32
      %shift_left3A_252 = vector.broadcast %shift_left3A : i32 to vector<16xi32>
      %shift_left3A_253 = arith.shli %and3A_251, %shift_left3A_252 : vector<16xi32>
      %shift_left3A_254 = arith.constant 1 : i32
      %shift_left3A_255 = vector.broadcast %shift_left3A_254 : i32 to vector<16xi32>
      %shift_left3A_256 = arith.shli %shift_left3A_255, %shift_left3A_253 : vector<16xi32>
      %broadcast_in_dim3A_257 = arith.constant 0 : i32
      %broadcast_in_dim3A_258 = vector.broadcast %broadcast_in_dim3A_257 : i32 to vector<16xi32>
      %and3A_259 = arith.andi %le3A_247, %lt3A_249 : vector<16xi1>
      %select_n3A = arith.select %and3A_259, %shift_left3A_256, %broadcast_in_dim3A_258 : vector<16xi1>, vector<16xi32>
      %not3A = arith.constant dense<true> : vector<16xi1>
      %not3A_260 = arith.xori %lt3A_249, %not3A : vector<16xi1>
      %and3A_261 = arith.andi %le3A_247, %not3A_260 : vector<16xi1>
      %select_n3A_262 = arith.select %and3A_261, %shift_left3A_256, %broadcast_in_dim3A_258 : vector<16xi1>, vector<16xi32>
      %broadcast_in_dim3A_263 = arith.constant true
      %broadcast_in_dim3A_264 = vector.broadcast %broadcast_in_dim3A_263 : i1 to vector<16xi1>
      %masked_cumsum3A = tpu.scan <sum>, %select_n3A masked %broadcast_in_dim3A_264 : vector<16xi32>, vector<16xi1> -> vector<16xi32>
      %broadcast_in_dim3A_265 = arith.constant true
      %broadcast_in_dim3A_266 = vector.broadcast %broadcast_in_dim3A_265 : i1 to vector<16xi1>
      %masked_cumsum3A_267 = tpu.scan <sum>, %select_n3A_262 masked %broadcast_in_dim3A_266 : vector<16xi32>, vector<16xi1> -> vector<16xi32>
      %add3A_268 = arith.addi %masked_cumsum3A, %while3A_205 : vector<16xi32>
      %add3A_269 = arith.addi %masked_cumsum3A_267, %while3A_206 : vector<16xi32>
      %select_n3A_270 = arith.select %lt3A_249, %add3A_268, %add3A_269 : vector<16xi1>, vector<16xi32>
      %shift_right_arithmetic3A = arith.shrsi %select_n3A_270, %shift_left3A_253 : vector<16xi32>
      %and3A_271 = arith.constant 255 : i32
      %and3A_272 = vector.broadcast %and3A_271 : i32 to vector<16xi32>
      %and3A_273 = arith.andi %shift_right_arithmetic3A, %and3A_272 : vector<16xi32>
      %sub3A = arith.constant 1 : i32
      %sub3A_274 = vector.broadcast %sub3A : i32 to vector<16xi32>
      %sub3A_275 = arith.subi %and3A_273, %sub3A_274 : vector<16xi32>
      %lt3A_276 = arith.constant 64 : i32
      %lt3A_277 = vector.broadcast %lt3A_276 : i32 to vector<16xi32>
      %lt3A_278 = arith.cmpi slt, %sub3A_275, %lt3A_277 : vector<16xi32>
      %and3A_279 = arith.andi %le3A_247, %lt3A_278 : vector<16xi1>
      %jit3A = arith.constant 0 : i32
      %broadcast_in_dim3A_280 = vector.broadcast %jit3A : i32 to vector<16xi32>
      %select_n3A_281 = arith.select %and3A_279, %sub3A_275, %broadcast_in_dim3A_280 : vector<16xi1>, vector<16xi32>
      %add3A_282 = vector.broadcast %mul3A_211 : i32 to vector<16xi32>
      %add3A_283 = arith.addi %iota3A, %add3A_282 : vector<16xi32>
      tpu.vector_store_idx %arg5[%add3A_240, %select_n3A_281], %add3A_283 masked %and3A_279 : memref<8x64xi32, #tpu.memory_space<vmem>>[vector<16xi32>, vector<16xi32>], vector<16xi32>, vector<16xi1>
      %lt3A_284 = arith.constant 0 : i32
      %lt3A_285 = vector.broadcast %lt3A_284 : i32 to vector<16xi32>
      %lt3A_286 = arith.cmpi slt, %broadcast_in_dim3A_163, %lt3A_285 : vector<16xi32>
      %add3A_287 = arith.constant 16 : i32
      %add3A_288 = vector.broadcast %add3A_287 : i32 to vector<16xi32>
      %add3A_289 = arith.addi %broadcast_in_dim3A_163, %add3A_288 : vector<16xi32>
      %select_n3A_290 = arith.select %lt3A_286, %add3A_289, %broadcast_in_dim3A_163 : vector<16xi1>, vector<16xi32>
      %broadcast_in_dim3A_291 = vector.shape_cast %select_n3A_290 : vector<16xi32> to vector<16x1xi32>
      %gather3A = vector.shape_cast %broadcast_in_dim3A_291 : vector<16x1xi32> to vector<16xi32>
      %gather3A_292 = tpu.dynamic_gather %masked_cumsum3A[%gather3A] in [0] : vector<16xi32>, vector<16xi32> -> vector<16xi32>
      %lt3A_293 = arith.constant 0 : i32
      %lt3A_294 = vector.broadcast %lt3A_293 : i32 to vector<16xi32>
      %lt3A_295 = arith.cmpi slt, %broadcast_in_dim3A_163, %lt3A_294 : vector<16xi32>
      %add3A_296 = arith.constant 16 : i32
      %add3A_297 = vector.broadcast %add3A_296 : i32 to vector<16xi32>
      %add3A_298 = arith.addi %broadcast_in_dim3A_163, %add3A_297 : vector<16xi32>
      %select_n3A_299 = arith.select %lt3A_295, %add3A_298, %broadcast_in_dim3A_163 : vector<16xi1>, vector<16xi32>
      %broadcast_in_dim3A_300 = vector.shape_cast %select_n3A_299 : vector<16xi32> to vector<16x1xi32>
      %gather3A_301 = vector.shape_cast %broadcast_in_dim3A_300 : vector<16x1xi32> to vector<16xi32>
      %gather3A_302 = tpu.dynamic_gather %masked_cumsum3A_267[%gather3A_301] in [0] : vector<16xi32>, vector<16xi32> -> vector<16xi32>
      %add3A_303 = arith.addi %while3A_205, %gather3A_292 : vector<16xi32>
      %add3A_304 = arith.addi %while3A_206, %gather3A_302 : vector<16xi32>
      %add3A_305 = arith.constant 1 : i32
      %add3A_306 = arith.addi %while3A_204, %add3A_305 : i32
      %mul3A_307 = arith.constant 16 : i32
      %mul3A_308 = arith.muli %add3A_306, %mul3A_307 : i32
      %get3A_309 = arith.constant 0 : i32
      %get3A_310 = arith.index_cast %get3A_309 : i32 to index
      %get3A_311 = arith.index_cast %mul3A_308 : i32 to index
      %get3A_312 = tpu.vector_load %arg4[%get3A_310, %get3A_311] {strides = array<i32>} : memref<3x16384xf32, #tpu.memory_space<vmem>>, vector<16xf32>,
      %get3A_313 = arith.constant 1 : i32
      %get3A_314 = arith.index_cast %get3A_313 : i32 to index
      %get3A_315 = arith.index_cast %mul3A_308 : i32 to index
      %get3A_316 = tpu.vector_load %arg4[%get3A_314, %get3A_315] {strides = array<i32>} : memref<3x16384xf32, #tpu.memory_space<vmem>>, vector<16xf32>,
      %get3A_317 = arith.constant 2 : i32
      %get3A_318 = arith.index_cast %get3A_317 : i32 to index
      %get3A_319 = arith.index_cast %mul3A_308 : i32 to index
      %get3A_320 = tpu.vector_load %arg4[%get3A_318, %get3A_319] {strides = array<i32>} : memref<3x16384xf32, #tpu.memory_space<vmem>>, vector<16xf32>,
      %gt3A_321 = arith.constant 0.000000e+00 : f32
      %gt3A_322 = vector.broadcast %gt3A_321 : f32 to vector<16xf32>
      %gt3A_323 = arith.cmpf ogt, %get3A_312, %gt3A_322 : vector<16xf32>
      %convert_element_type3A_324 = arith.extui %gt3A_323 : vector<16xi1> to vector<16xi32>
      %mul3A_325 = arith.constant 4 : i32
      %mul3A_326 = vector.broadcast %mul3A_325 : i32 to vector<16xi32>
      %mul3A_327 = arith.muli %convert_element_type3A_324, %mul3A_326 : vector<16xi32>
      %gt3A_328 = arith.constant 0.000000e+00 : f32
      %gt3A_329 = vector.broadcast %gt3A_328 : f32 to vector<16xf32>
      %gt3A_330 = arith.cmpf ogt, %get3A_316, %gt3A_329 : vector<16xf32>
      %convert_element_type3A_331 = arith.extui %gt3A_330 : vector<16xi1> to vector<16xi32>
      %mul3A_332 = arith.constant 2 : i32
      %mul3A_333 = vector.broadcast %mul3A_332 : i32 to vector<16xi32>
      %mul3A_334 = arith.muli %convert_element_type3A_331, %mul3A_333 : vector<16xi32>
      %add3A_335 = arith.addi %mul3A_327, %mul3A_334 : vector<16xi32>
      %gt3A_336 = arith.constant 0.000000e+00 : f32
      %gt3A_337 = vector.broadcast %gt3A_336 : f32 to vector<16xf32>
      %gt3A_338 = arith.cmpf ogt, %get3A_320, %gt3A_337 : vector<16xf32>
      %convert_element_type3A_339 = arith.extui %gt3A_338 : vector<16xi1> to vector<16xi32>
      %add3A_340 = arith.addi %add3A_335, %convert_element_type3A_339 : vector<16xi32>
      %mul3A_341 = arith.mulf %get3A_312, %get3A_312 : vector<16xf32>
      %mul3A_342 = arith.mulf %get3A_316, %get3A_316 : vector<16xf32>
      %add3A_343 = arith.addf %mul3A_341, %mul3A_342 : vector<16xf32>
      %mul3A_344 = arith.mulf %get3A_320, %get3A_320 : vector<16xf32>
      %add3A_345 = arith.addf %add3A_343, %mul3A_344 : vector<16xf32>
      %le3A_346 = arith.constant 1.000000e+00 : f32
      %le3A_347 = vector.broadcast %le3A_346 : f32 to vector<16xf32>
      %le3A_348 = arith.cmpf ole, %add3A_345, %le3A_347 : vector<16xf32>
      %lt3A_349 = arith.constant 4 : i32
      %lt3A_350 = vector.broadcast %lt3A_349 : i32 to vector<16xi32>
      %lt3A_351 = arith.cmpi slt, %add3A_340, %lt3A_350 : vector<16xi32>
      %and3A_352 = arith.constant 3 : i32
      %and3A_353 = vector.broadcast %and3A_352 : i32 to vector<16xi32>
      %and3A_354 = arith.andi %add3A_340, %and3A_353 : vector<16xi32>
      %shift_left3A_355 = arith.constant 3 : i32
      %shift_left3A_356 = vector.broadcast %shift_left3A_355 : i32 to vector<16xi32>
      %shift_left3A_357 = arith.shli %and3A_354, %shift_left3A_356 : vector<16xi32>
      %shift_left3A_358 = arith.constant 1 : i32
      %shift_left3A_359 = vector.broadcast %shift_left3A_358 : i32 to vector<16xi32>
      %shift_left3A_360 = arith.shli %shift_left3A_359, %shift_left3A_357 : vector<16xi32>
      %broadcast_in_dim3A_361 = arith.constant 0 : i32
      %broadcast_in_dim3A_362 = vector.broadcast %broadcast_in_dim3A_361 : i32 to vector<16xi32>
      %and3A_363 = arith.andi %le3A_348, %lt3A_351 : vector<16xi1>
      %select_n3A_364 = arith.select %and3A_363, %shift_left3A_360, %broadcast_in_dim3A_362 : vector<16xi1>, vector<16xi32>
      %not3A_365 = arith.constant dense<true> : vector<16xi1>
      %not3A_366 = arith.xori %lt3A_351, %not3A_365 : vector<16xi1>
      %and3A_367 = arith.andi %le3A_348, %not3A_366 : vector<16xi1>
      %select_n3A_368 = arith.select %and3A_367, %shift_left3A_360, %broadcast_in_dim3A_362 : vector<16xi1>, vector<16xi32>
      %broadcast_in_dim3A_369 = arith.constant true
      %broadcast_in_dim3A_370 = vector.broadcast %broadcast_in_dim3A_369 : i1 to vector<16xi1>
      %masked_cumsum3A_371 = tpu.scan <sum>, %select_n3A_364 masked %broadcast_in_dim3A_370 : vector<16xi32>, vector<16xi1> -> vector<16xi32>
      %broadcast_in_dim3A_372 = arith.constant true
      %broadcast_in_dim3A_373 = vector.broadcast %broadcast_in_dim3A_372 : i1 to vector<16xi1>
      %masked_cumsum3A_374 = tpu.scan <sum>, %select_n3A_368 masked %broadcast_in_dim3A_373 : vector<16xi32>, vector<16xi1> -> vector<16xi32>
      %add3A_375 = arith.addi %masked_cumsum3A_371, %add3A_303 : vector<16xi32>
      %add3A_376 = arith.addi %masked_cumsum3A_374, %add3A_304 : vector<16xi32>
      %select_n3A_377 = arith.select %lt3A_351, %add3A_375, %add3A_376 : vector<16xi1>, vector<16xi32>
      %shift_right_arithmetic3A_378 = arith.shrsi %select_n3A_377, %shift_left3A_357 : vector<16xi32>
      %and3A_379 = arith.constant 255 : i32
      %and3A_380 = vector.broadcast %and3A_379 : i32 to vector<16xi32>
      %and3A_381 = arith.andi %shift_right_arithmetic3A_378, %and3A_380 : vector<16xi32>
      %sub3A_382 = arith.constant 1 : i32
      %sub3A_383 = vector.broadcast %sub3A_382 : i32 to vector<16xi32>
      %sub3A_384 = arith.subi %and3A_381, %sub3A_383 : vector<16xi32>
      %lt3A_385 = arith.constant 64 : i32
      %lt3A_386 = vector.broadcast %lt3A_385 : i32 to vector<16xi32>
      %lt3A_387 = arith.cmpi slt, %sub3A_384, %lt3A_386 : vector<16xi32>
      %and3A_388 = arith.andi %le3A_348, %lt3A_387 : vector<16xi1>
      %jit3A_389 = arith.constant 0 : i32
      %broadcast_in_dim3A_390 = vector.broadcast %jit3A_389 : i32 to vector<16xi32>
      %select_n3A_391 = arith.select %and3A_388, %sub3A_384, %broadcast_in_dim3A_390 : vector<16xi1>, vector<16xi32>
      %add3A_392 = vector.broadcast %mul3A_308 : i32 to vector<16xi32>
      %add3A_393 = arith.addi %iota3A, %add3A_392 : vector<16xi32>
      tpu.vector_store_idx %arg5[%add3A_340, %select_n3A_391], %add3A_393 masked %and3A_388 : memref<8x64xi32, #tpu.memory_space<vmem>>[vector<16xi32>, vector<16xi32>], vector<16xi32>, vector<16xi1>
      %lt3A_394 = arith.constant 0 : i32
      %lt3A_395 = vector.broadcast %lt3A_394 : i32 to vector<16xi32>
      %lt3A_396 = arith.cmpi slt, %broadcast_in_dim3A_163, %lt3A_395 : vector<16xi32>
      %add3A_397 = arith.constant 16 : i32
      %add3A_398 = vector.broadcast %add3A_397 : i32 to vector<16xi32>
      %add3A_399 = arith.addi %broadcast_in_dim3A_163, %add3A_398 : vector<16xi32>
      %select_n3A_400 = arith.select %lt3A_396, %add3A_399, %broadcast_in_dim3A_163 : vector<16xi1>, vector<16xi32>
      %broadcast_in_dim3A_401 = vector.shape_cast %select_n3A_400 : vector<16xi32> to vector<16x1xi32>
      %gather3A_402 = vector.shape_cast %broadcast_in_dim3A_401 : vector<16x1xi32> to vector<16xi32>
      %gather3A_403 = tpu.dynamic_gather %masked_cumsum3A_371[%gather3A_402] in [0] : vector<16xi32>, vector<16xi32> -> vector<16xi32>
      %lt3A_404 = arith.constant 0 : i32
      %lt3A_405 = vector.broadcast %lt3A_404 : i32 to vector<16xi32>
      %lt3A_406 = arith.cmpi slt, %broadcast_in_dim3A_163, %lt3A_405 : vector<16xi32>
      %add3A_407 = arith.constant 16 : i32
      %add3A_408 = vector.broadcast %add3A_407 : i32 to vector<16xi32>
      %add3A_409 = arith.addi %broadcast_in_dim3A_163, %add3A_408 : vector<16xi32>
      %select_n3A_410 = arith.select %lt3A_406, %add3A_409, %broadcast_in_dim3A_163 : vector<16xi1>, vector<16xi32>
      %broadcast_in_dim3A_411 = vector.shape_cast %select_n3A_410 : vector<16xi32> to vector<16x1xi32>
      %gather3A_412 = vector.shape_cast %broadcast_in_dim3A_411 : vector<16x1xi32> to vector<16xi32>
      %gather3A_413 = tpu.dynamic_gather %masked_cumsum3A_374[%gather3A_412] in [0] : vector<16xi32>, vector<16xi32> -> vector<16xi32>
      %add3A_414 = arith.addi %add3A_303, %gather3A_403 : vector<16xi32>
      %add3A_415 = arith.addi %add3A_304, %gather3A_413 : vector<16xi32>
      %add3A_416 = arith.constant 2 : i32
      %add3A_417 = arith.addi %while3A_204, %add3A_416 : i32
      %mul3A_418 = arith.constant 16 : i32
      %mul3A_419 = arith.muli %add3A_417, %mul3A_418 : i32
      %get3A_420 = arith.constant 0 : i32
      %get3A_421 = arith.index_cast %get3A_420 : i32 to index
      %get3A_422 = arith.index_cast %mul3A_419 : i32 to index
      %get3A_423 = tpu.vector_load %arg4[%get3A_421, %get3A_422] {strides = array<i32>} : memref<3x16384xf32, #tpu.memory_space<vmem>>, vector<16xf32>,
      %get3A_424 = arith.constant 1 : i32
      %get3A_425 = arith.index_cast %get3A_424 : i32 to index
      %get3A_426 = arith.index_cast %mul3A_419 : i32 to index
      %get3A_427 = tpu.vector_load %arg4[%get3A_425, %get3A_426] {strides = array<i32>} : memref<3x16384xf32, #tpu.memory_space<vmem>>, vector<16xf32>,
      %get3A_428 = arith.constant 2 : i32
      %get3A_429 = arith.index_cast %get3A_428 : i32 to index
      %get3A_430 = arith.index_cast %mul3A_419 : i32 to index
      %get3A_431 = tpu.vector_load %arg4[%get3A_429, %get3A_430] {strides = array<i32>} : memref<3x16384xf32, #tpu.memory_space<vmem>>, vector<16xf32>,
      %gt3A_432 = arith.constant 0.000000e+00 : f32
      %gt3A_433 = vector.broadcast %gt3A_432 : f32 to vector<16xf32>
      %gt3A_434 = arith.cmpf ogt, %get3A_423, %gt3A_433 : vector<16xf32>
      %convert_element_type3A_435 = arith.extui %gt3A_434 : vector<16xi1> to vector<16xi32>
      %mul3A_436 = arith.constant 4 : i32
      %mul3A_437 = vector.broadcast %mul3A_436 : i32 to vector<16xi32>
      %mul3A_438 = arith.muli %convert_element_type3A_435, %mul3A_437 : vector<16xi32>
      %gt3A_439 = arith.constant 0.000000e+00 : f32
      %gt3A_440 = vector.broadcast %gt3A_439 : f32 to vector<16xf32>
      %gt3A_441 = arith.cmpf ogt, %get3A_427, %gt3A_440 : vector<16xf32>
      %convert_element_type3A_442 = arith.extui %gt3A_441 : vector<16xi1> to vector<16xi32>
      %mul3A_443 = arith.constant 2 : i32
      %mul3A_444 = vector.broadcast %mul3A_443 : i32 to vector<16xi32>
      %mul3A_445 = arith.muli %convert_element_type3A_442, %mul3A_444 : vector<16xi32>
      %add3A_446 = arith.addi %mul3A_438, %mul3A_445 : vector<16xi32>
      %gt3A_447 = arith.constant 0.000000e+00 : f32
      %gt3A_448 = vector.broadcast %gt3A_447 : f32 to vector<16xf32>
      %gt3A_449 = arith.cmpf ogt, %get3A_431, %gt3A_448 : vector<16xf32>
      %convert_element_type3A_450 = arith.extui %gt3A_449 : vector<16xi1> to vector<16xi32>
      %add3A_451 = arith.addi %add3A_446, %convert_element_type3A_450 : vector<16xi32>
      %mul3A_452 = arith.mulf %get3A_423, %get3A_423 : vector<16xf32>
      %mul3A_453 = arith.mulf %get3A_427, %get3A_427 : vector<16xf32>
      %add3A_454 = arith.addf %mul3A_452, %mul3A_453 : vector<16xf32>
      %mul3A_455 = arith.mulf %get3A_431, %get3A_431 : vector<16xf32>
      %add3A_456 = arith.addf %add3A_454, %mul3A_455 : vector<16xf32>
      %le3A_457 = arith.constant 1.000000e+00 : f32
      %le3A_458 = vector.broadcast %le3A_457 : f32 to vector<16xf32>
      %le3A_459 = arith.cmpf ole, %add3A_456, %le3A_458 : vector<16xf32>
      %lt3A_460 = arith.constant 4 : i32
      %lt3A_461 = vector.broadcast %lt3A_460 : i32 to vector<16xi32>
      %lt3A_462 = arith.cmpi slt, %add3A_451, %lt3A_461 : vector<16xi32>
      %and3A_463 = arith.constant 3 : i32
      %and3A_464 = vector.broadcast %and3A_463 : i32 to vector<16xi32>
      %and3A_465 = arith.andi %add3A_451, %and3A_464 : vector<16xi32>
      %shift_left3A_466 = arith.constant 3 : i32
      %shift_left3A_467 = vector.broadcast %shift_left3A_466 : i32 to vector<16xi32>
      %shift_left3A_468 = arith.shli %and3A_465, %shift_left3A_467 : vector<16xi32>
      %shift_left3A_469 = arith.constant 1 : i32
      %shift_left3A_470 = vector.broadcast %shift_left3A_469 : i32 to vector<16xi32>
      %shift_left3A_471 = arith.shli %shift_left3A_470, %shift_left3A_468 : vector<16xi32>
      %broadcast_in_dim3A_472 = arith.constant 0 : i32
      %broadcast_in_dim3A_473 = vector.broadcast %broadcast_in_dim3A_472 : i32 to vector<16xi32>
      %and3A_474 = arith.andi %le3A_459, %lt3A_462 : vector<16xi1>
      %select_n3A_475 = arith.select %and3A_474, %shift_left3A_471, %broadcast_in_dim3A_473 : vector<16xi1>, vector<16xi32>
      %not3A_476 = arith.constant dense<true> : vector<16xi1>
      %not3A_477 = arith.xori %lt3A_462, %not3A_476 : vector<16xi1>
      %and3A_478 = arith.andi %le3A_459, %not3A_477 : vector<16xi1>
      %select_n3A_479 = arith.select %and3A_478, %shift_left3A_471, %broadcast_in_dim3A_473 : vector<16xi1>, vector<16xi32>
      %broadcast_in_dim3A_480 = arith.constant true
      %broadcast_in_dim3A_481 = vector.broadcast %broadcast_in_dim3A_480 : i1 to vector<16xi1>
      %masked_cumsum3A_482 = tpu.scan <sum>, %select_n3A_475 masked %broadcast_in_dim3A_481 : vector<16xi32>, vector<16xi1> -> vector<16xi32>
      %broadcast_in_dim3A_483 = arith.constant true
      %broadcast_in_dim3A_484 = vector.broadcast %broadcast_in_dim3A_483 : i1 to vector<16xi1>
      %masked_cumsum3A_485 = tpu.scan <sum>, %select_n3A_479 masked %broadcast_in_dim3A_484 : vector<16xi32>, vector<16xi1> -> vector<16xi32>
      %add3A_486 = arith.addi %masked_cumsum3A_482, %add3A_414 : vector<16xi32>
      %add3A_487 = arith.addi %masked_cumsum3A_485, %add3A_415 : vector<16xi32>
      %select_n3A_488 = arith.select %lt3A_462, %add3A_486, %add3A_487 : vector<16xi1>, vector<16xi32>
      %shift_right_arithmetic3A_489 = arith.shrsi %select_n3A_488, %shift_left3A_468 : vector<16xi32>
      %and3A_490 = arith.constant 255 : i32
      %and3A_491 = vector.broadcast %and3A_490 : i32 to vector<16xi32>
      %and3A_492 = arith.andi %shift_right_arithmetic3A_489, %and3A_491 : vector<16xi32>
      %sub3A_493 = arith.constant 1 : i32
      %sub3A_494 = vector.broadcast %sub3A_493 : i32 to vector<16xi32>
      %sub3A_495 = arith.subi %and3A_492, %sub3A_494 : vector<16xi32>
      %lt3A_496 = arith.constant 64 : i32
      %lt3A_497 = vector.broadcast %lt3A_496 : i32 to vector<16xi32>
      %lt3A_498 = arith.cmpi slt, %sub3A_495, %lt3A_497 : vector<16xi32>
      %and3A_499 = arith.andi %le3A_459, %lt3A_498 : vector<16xi1>
      %jit3A_500 = arith.constant 0 : i32
      %broadcast_in_dim3A_501 = vector.broadcast %jit3A_500 : i32 to vector<16xi32>
      %select_n3A_502 = arith.select %and3A_499, %sub3A_495, %broadcast_in_dim3A_501 : vector<16xi1>, vector<16xi32>
      %add3A_503 = vector.broadcast %mul3A_419 : i32 to vector<16xi32>
      %add3A_504 = arith.addi %iota3A, %add3A_503 : vector<16xi32>
      tpu.vector_store_idx %arg5[%add3A_451, %select_n3A_502], %add3A_504 masked %and3A_499 : memref<8x64xi32, #tpu.memory_space<vmem>>[vector<16xi32>, vector<16xi32>], vector<16xi32>, vector<16xi1>
      %lt3A_505 = arith.constant 0 : i32
      %lt3A_506 = vector.broadcast %lt3A_505 : i32 to vector<16xi32>
      %lt3A_507 = arith.cmpi slt, %broadcast_in_dim3A_163, %lt3A_506 : vector<16xi32>
      %add3A_508 = arith.constant 16 : i32
      %add3A_509 = vector.broadcast %add3A_508 : i32 to vector<16xi32>
      %add3A_510 = arith.addi %broadcast_in_dim3A_163, %add3A_509 : vector<16xi32>
      %select_n3A_511 = arith.select %lt3A_507, %add3A_510, %broadcast_in_dim3A_163 : vector<16xi1>, vector<16xi32>
      %broadcast_in_dim3A_512 = vector.shape_cast %select_n3A_511 : vector<16xi32> to vector<16x1xi32>
      %gather3A_513 = vector.shape_cast %broadcast_in_dim3A_512 : vector<16x1xi32> to vector<16xi32>
      %gather3A_514 = tpu.dynamic_gather %masked_cumsum3A_482[%gather3A_513] in [0] : vector<16xi32>, vector<16xi32> -> vector<16xi32>
      %lt3A_515 = arith.constant 0 : i32
      %lt3A_516 = vector.broadcast %lt3A_515 : i32 to vector<16xi32>
      %lt3A_517 = arith.cmpi slt, %broadcast_in_dim3A_163, %lt3A_516 : vector<16xi32>
      %add3A_518 = arith.constant 16 : i32
      %add3A_519 = vector.broadcast %add3A_518 : i32 to vector<16xi32>
      %add3A_520 = arith.addi %broadcast_in_dim3A_163, %add3A_519 : vector<16xi32>
      %select_n3A_521 = arith.select %lt3A_517, %add3A_520, %broadcast_in_dim3A_163 : vector<16xi1>, vector<16xi32>
      %broadcast_in_dim3A_522 = vector.shape_cast %select_n3A_521 : vector<16xi32> to vector<16x1xi32>
      %gather3A_523 = vector.shape_cast %broadcast_in_dim3A_522 : vector<16x1xi32> to vector<16xi32>
      %gather3A_524 = tpu.dynamic_gather %masked_cumsum3A_485[%gather3A_523] in [0] : vector<16xi32>, vector<16xi32> -> vector<16xi32>
      %add3A_525 = arith.addi %add3A_414, %gather3A_514 : vector<16xi32>
      %add3A_526 = arith.addi %add3A_415, %gather3A_524 : vector<16xi32>
      %add3A_527 = arith.constant 3 : i32
      %add3A_528 = arith.addi %while3A_204, %add3A_527 : i32
      %mul3A_529 = arith.constant 16 : i32
      %mul3A_530 = arith.muli %add3A_528, %mul3A_529 : i32
      %get3A_531 = arith.constant 0 : i32
      %get3A_532 = arith.index_cast %get3A_531 : i32 to index
      %get3A_533 = arith.index_cast %mul3A_530 : i32 to index
      %get3A_534 = tpu.vector_load %arg4[%get3A_532, %get3A_533] {strides = array<i32>} : memref<3x16384xf32, #tpu.memory_space<vmem>>, vector<16xf32>,
      %get3A_535 = arith.constant 1 : i32
      %get3A_536 = arith.index_cast %get3A_535 : i32 to index
      %get3A_537 = arith.index_cast %mul3A_530 : i32 to index
      %get3A_538 = tpu.vector_load %arg4[%get3A_536, %get3A_537] {strides = array<i32>} : memref<3x16384xf32, #tpu.memory_space<vmem>>, vector<16xf32>,
      %get3A_539 = arith.constant 2 : i32
      %get3A_540 = arith.index_cast %get3A_539 : i32 to index
      %get3A_541 = arith.index_cast %mul3A_530 : i32 to index
      %get3A_542 = tpu.vector_load %arg4[%get3A_540, %get3A_541] {strides = array<i32>} : memref<3x16384xf32, #tpu.memory_space<vmem>>, vector<16xf32>,
      %gt3A_543 = arith.constant 0.000000e+00 : f32
      %gt3A_544 = vector.broadcast %gt3A_543 : f32 to vector<16xf32>
      %gt3A_545 = arith.cmpf ogt, %get3A_534, %gt3A_544 : vector<16xf32>
      %convert_element_type3A_546 = arith.extui %gt3A_545 : vector<16xi1> to vector<16xi32>
      %mul3A_547 = arith.constant 4 : i32
      %mul3A_548 = vector.broadcast %mul3A_547 : i32 to vector<16xi32>
      %mul3A_549 = arith.muli %convert_element_type3A_546, %mul3A_548 : vector<16xi32>
      %gt3A_550 = arith.constant 0.000000e+00 : f32
      %gt3A_551 = vector.broadcast %gt3A_550 : f32 to vector<16xf32>
      %gt3A_552 = arith.cmpf ogt, %get3A_538, %gt3A_551 : vector<16xf32>
      %convert_element_type3A_553 = arith.extui %gt3A_552 : vector<16xi1> to vector<16xi32>
      %mul3A_554 = arith.constant 2 : i32
      %mul3A_555 = vector.broadcast %mul3A_554 : i32 to vector<16xi32>
      %mul3A_556 = arith.muli %convert_element_type3A_553, %mul3A_555 : vector<16xi32>
      %add3A_557 = arith.addi %mul3A_549, %mul3A_556 : vector<16xi32>
      %gt3A_558 = arith.constant 0.000000e+00 : f32
      %gt3A_559 = vector.broadcast %gt3A_558 : f32 to vector<16xf32>
      %gt3A_560 = arith.cmpf ogt, %get3A_542, %gt3A_559 : vector<16xf32>
      %convert_element_type3A_561 = arith.extui %gt3A_560 : vector<16xi1> to vector<16xi32>
      %add3A_562 = arith.addi %add3A_557, %convert_element_type3A_561 : vector<16xi32>
      %mul3A_563 = arith.mulf %get3A_534, %get3A_534 : vector<16xf32>
      %mul3A_564 = arith.mulf %get3A_538, %get3A_538 : vector<16xf32>
      %add3A_565 = arith.addf %mul3A_563, %mul3A_564 : vector<16xf32>
      %mul3A_566 = arith.mulf %get3A_542, %get3A_542 : vector<16xf32>
      %add3A_567 = arith.addf %add3A_565, %mul3A_566 : vector<16xf32>
      %le3A_568 = arith.constant 1.000000e+00 : f32
      %le3A_569 = vector.broadcast %le3A_568 : f32 to vector<16xf32>
      %le3A_570 = arith.cmpf ole, %add3A_567, %le3A_569 : vector<16xf32>
      %lt3A_571 = arith.constant 4 : i32
      %lt3A_572 = vector.broadcast %lt3A_571 : i32 to vector<16xi32>
      %lt3A_573 = arith.cmpi slt, %add3A_562, %lt3A_572 : vector<16xi32>
      %and3A_574 = arith.constant 3 : i32
      %and3A_575 = vector.broadcast %and3A_574 : i32 to vector<16xi32>
      %and3A_576 = arith.andi %add3A_562, %and3A_575 : vector<16xi32>
      %shift_left3A_577 = arith.constant 3 : i32
      %shift_left3A_578 = vector.broadcast %shift_left3A_577 : i32 to vector<16xi32>
      %shift_left3A_579 = arith.shli %and3A_576, %shift_left3A_578 : vector<16xi32>
      %shift_left3A_580 = arith.constant 1 : i32
      %shift_left3A_581 = vector.broadcast %shift_left3A_580 : i32 to vector<16xi32>
      %shift_left3A_582 = arith.shli %shift_left3A_581, %shift_left3A_579 : vector<16xi32>
      %broadcast_in_dim3A_583 = arith.constant 0 : i32
      %broadcast_in_dim3A_584 = vector.broadcast %broadcast_in_dim3A_583 : i32 to vector<16xi32>
      %and3A_585 = arith.andi %le3A_570, %lt3A_573 : vector<16xi1>
      %select_n3A_586 = arith.select %and3A_585, %shift_left3A_582, %broadcast_in_dim3A_584 : vector<16xi1>, vector<16xi32>
      %not3A_587 = arith.constant dense<true> : vector<16xi1>
      %not3A_588 = arith.xori %lt3A_573, %not3A_587 : vector<16xi1>
      %and3A_589 = arith.andi %le3A_570, %not3A_588 : vector<16xi1>
      %select_n3A_590 = arith.select %and3A_589, %shift_left3A_582, %broadcast_in_dim3A_584 : vector<16xi1>, vector<16xi32>
      %broadcast_in_dim3A_591 = arith.constant true
      %broadcast_in_dim3A_592 = vector.broadcast %broadcast_in_dim3A_591 : i1 to vector<16xi1>
      %masked_cumsum3A_593 = tpu.scan <sum>, %select_n3A_586 masked %broadcast_in_dim3A_592 : vector<16xi32>, vector<16xi1> -> vector<16xi32>
      %broadcast_in_dim3A_594 = arith.constant true
      %broadcast_in_dim3A_595 = vector.broadcast %broadcast_in_dim3A_594 : i1 to vector<16xi1>
      %masked_cumsum3A_596 = tpu.scan <sum>, %select_n3A_590 masked %broadcast_in_dim3A_595 : vector<16xi32>, vector<16xi1> -> vector<16xi32>
      %add3A_597 = arith.addi %masked_cumsum3A_593, %add3A_525 : vector<16xi32>
      %add3A_598 = arith.addi %masked_cumsum3A_596, %add3A_526 : vector<16xi32>
      %select_n3A_599 = arith.select %lt3A_573, %add3A_597, %add3A_598 : vector<16xi1>, vector<16xi32>
      %shift_right_arithmetic3A_600 = arith.shrsi %select_n3A_599, %shift_left3A_579 : vector<16xi32>
      %and3A_601 = arith.constant 255 : i32
      %and3A_602 = vector.broadcast %and3A_601 : i32 to vector<16xi32>
      %and3A_603 = arith.andi %shift_right_arithmetic3A_600, %and3A_602 : vector<16xi32>
      %sub3A_604 = arith.constant 1 : i32
      %sub3A_605 = vector.broadcast %sub3A_604 : i32 to vector<16xi32>
      %sub3A_606 = arith.subi %and3A_603, %sub3A_605 : vector<16xi32>
      %lt3A_607 = arith.constant 64 : i32
      %lt3A_608 = vector.broadcast %lt3A_607 : i32 to vector<16xi32>
      %lt3A_609 = arith.cmpi slt, %sub3A_606, %lt3A_608 : vector<16xi32>
      %and3A_610 = arith.andi %le3A_570, %lt3A_609 : vector<16xi1>
      %jit3A_611 = arith.constant 0 : i32
      %broadcast_in_dim3A_612 = vector.broadcast %jit3A_611 : i32 to vector<16xi32>
      %select_n3A_613 = arith.select %and3A_610, %sub3A_606, %broadcast_in_dim3A_612 : vector<16xi1>, vector<16xi32>
      %add3A_614 = vector.broadcast %mul3A_530 : i32 to vector<16xi32>
      %add3A_615 = arith.addi %iota3A, %add3A_614 : vector<16xi32>
      tpu.vector_store_idx %arg5[%add3A_562, %select_n3A_613], %add3A_615 masked %and3A_610 : memref<8x64xi32, #tpu.memory_space<vmem>>[vector<16xi32>, vector<16xi32>], vector<16xi32>, vector<16xi1>
      %lt3A_616 = arith.constant 0 : i32
      %lt3A_617 = vector.broadcast %lt3A_616 : i32 to vector<16xi32>
      %lt3A_618 = arith.cmpi slt, %broadcast_in_dim3A_163, %lt3A_617 : vector<16xi32>
      %add3A_619 = arith.constant 16 : i32
      %add3A_620 = vector.broadcast %add3A_619 : i32 to vector<16xi32>
      %add3A_621 = arith.addi %broadcast_in_dim3A_163, %add3A_620 : vector<16xi32>
      %select_n3A_622 = arith.select %lt3A_618, %add3A_621, %broadcast_in_dim3A_163 : vector<16xi1>, vector<16xi32>
      %broadcast_in_dim3A_623 = vector.shape_cast %select_n3A_622 : vector<16xi32> to vector<16x1xi32>
      %gather3A_624 = vector.shape_cast %broadcast_in_dim3A_623 : vector<16x1xi32> to vector<16xi32>
      %gather3A_625 = tpu.dynamic_gather %masked_cumsum3A_593[%gather3A_624] in [0] : vector<16xi32>, vector<16xi32> -> vector<16xi32>
      %lt3A_626 = arith.constant 0 : i32
      %lt3A_627 = vector.broadcast %lt3A_626 : i32 to vector<16xi32>
      %lt3A_628 = arith.cmpi slt, %broadcast_in_dim3A_163, %lt3A_627 : vector<16xi32>
      %add3A_629 = arith.constant 16 : i32
      %add3A_630 = vector.broadcast %add3A_629 : i32 to vector<16xi32>
      %add3A_631 = arith.addi %broadcast_in_dim3A_163, %add3A_630 : vector<16xi32>
      %select_n3A_632 = arith.select %lt3A_628, %add3A_631, %broadcast_in_dim3A_163 : vector<16xi1>, vector<16xi32>
      %broadcast_in_dim3A_633 = vector.shape_cast %select_n3A_632 : vector<16xi32> to vector<16x1xi32>
      %gather3A_634 = vector.shape_cast %broadcast_in_dim3A_633 : vector<16x1xi32> to vector<16xi32>
      %gather3A_635 = tpu.dynamic_gather %masked_cumsum3A_596[%gather3A_634] in [0] : vector<16xi32>, vector<16xi32> -> vector<16xi32>
      %add3A_636 = arith.addi %add3A_525, %gather3A_625 : vector<16xi32>
      %add3A_637 = arith.addi %add3A_526, %gather3A_635 : vector<16xi32>
      %shift_right_arithmetic3A_638 = arith.constant 6 : i32
      %shift_right_arithmetic3A_639 = vector.broadcast %shift_right_arithmetic3A_638 : i32 to vector<16xi32>
      %shift_right_arithmetic3A_640 = arith.shrsi %add3A_636, %shift_right_arithmetic3A_639 : vector<16xi32>
      %shift_right_arithmetic3A_641 = arith.constant 7 : i32
      %shift_right_arithmetic3A_642 = vector.broadcast %shift_right_arithmetic3A_641 : i32 to vector<16xi32>
      %shift_right_arithmetic3A_643 = arith.shrsi %add3A_636, %shift_right_arithmetic3A_642 : vector<16xi32>
      %or3A = arith.ori %shift_right_arithmetic3A_640, %shift_right_arithmetic3A_643 : vector<16xi32>
      %and3A_644 = arith.constant 16843009 : i32
      %and3A_645 = vector.broadcast %and3A_644 : i32 to vector<16xi32>
      %and3A_646 = arith.andi %or3A, %and3A_645 : vector<16xi32>
      %shift_left3A_647 = arith.constant 8 : i32
      %shift_left3A_648 = vector.broadcast %shift_left3A_647 : i32 to vector<16xi32>
      %shift_left3A_649 = arith.shli %and3A_646, %shift_left3A_648 : vector<16xi32>
      %sub3A_650 = arith.subi %shift_left3A_649, %and3A_646 : vector<16xi32>
      %not3A_651 = arith.constant dense<-1> : vector<16xi32>
      %not3A_652 = arith.xori %sub3A_650, %not3A_651 : vector<16xi32>
      %and3A_653 = arith.andi %add3A_636, %not3A_652 : vector<16xi32>
      %shift_left3A_654 = arith.constant 6 : i32
      %shift_left3A_655 = vector.broadcast %shift_left3A_654 : i32 to vector<16xi32>
      %shift_left3A_656 = arith.shli %and3A_646, %shift_left3A_655 : vector<16xi32>
      %or3A_657 = arith.ori %and3A_653, %shift_left3A_656 : vector<16xi32>
      %shift_right_arithmetic3A_658 = arith.constant 6 : i32
      %shift_right_arithmetic3A_659 = vector.broadcast %shift_right_arithmetic3A_658 : i32 to vector<16xi32>
      %shift_right_arithmetic3A_660 = arith.shrsi %add3A_637, %shift_right_arithmetic3A_659 : vector<16xi32>
      %shift_right_arithmetic3A_661 = arith.constant 7 : i32
      %shift_right_arithmetic3A_662 = vector.broadcast %shift_right_arithmetic3A_661 : i32 to vector<16xi32>
      %shift_right_arithmetic3A_663 = arith.shrsi %add3A_637, %shift_right_arithmetic3A_662 : vector<16xi32>
      %or3A_664 = arith.ori %shift_right_arithmetic3A_660, %shift_right_arithmetic3A_663 : vector<16xi32>
      %and3A_665 = arith.constant 16843009 : i32
      %and3A_666 = vector.broadcast %and3A_665 : i32 to vector<16xi32>
      %and3A_667 = arith.andi %or3A_664, %and3A_666 : vector<16xi32>
      %shift_left3A_668 = arith.constant 8 : i32
      %shift_left3A_669 = vector.broadcast %shift_left3A_668 : i32 to vector<16xi32>
      %shift_left3A_670 = arith.shli %and3A_667, %shift_left3A_669 : vector<16xi32>
      %sub3A_671 = arith.subi %shift_left3A_670, %and3A_667 : vector<16xi32>
      %not3A_672 = arith.constant dense<-1> : vector<16xi32>
      %not3A_673 = arith.xori %sub3A_671, %not3A_672 : vector<16xi32>
      %and3A_674 = arith.andi %add3A_637, %not3A_673 : vector<16xi32>
      %shift_left3A_675 = arith.constant 6 : i32
      %shift_left3A_676 = vector.broadcast %shift_left3A_675 : i32 to vector<16xi32>
      %shift_left3A_677 = arith.shli %and3A_667, %shift_left3A_676 : vector<16xi32>
      %or3A_678 = arith.ori %and3A_674, %shift_left3A_677 : vector<16xi32>
      %eq3A = arith.constant 1077952576 : i32
      %eq3A_679 = vector.broadcast %eq3A : i32 to vector<16xi32>
      %eq3A_680 = arith.cmpi eq, %or3A_657, %eq3A_679 : vector<16xi32>
      %eq3A_681 = arith.constant 1077952576 : i32
      %eq3A_682 = vector.broadcast %eq3A_681 : i32 to vector<16xi32>
      %eq3A_683 = arith.cmpi eq, %or3A_678, %eq3A_682 : vector<16xi32>
      %and3A_684 = arith.andi %eq3A_680, %eq3A_683 : vector<16xi1>
      %reduce_and3A = arith.constant 1.000000e+00 : f32
      %reduce_and3A_685 = arith.constant 0.000000e+00 : f32
      %reduce_and3A_686 = vector.broadcast %reduce_and3A : f32 to vector<16xf32>
      %reduce_and3A_687 = vector.broadcast %reduce_and3A_685 : f32 to vector<16xf32>
      %reduce_and3A_688 = arith.select %and3A_684, %reduce_and3A_686, %reduce_and3A_687 : vector<16xi1>, vector<16xf32>
      %reduce_and3A_689 = arith.constant true
      %reduce_and3A_690 = vector.broadcast %reduce_and3A_689 : i1 to vector<16xi1>
      %reduce_and3A_691 = tpu.scan <min>, %reduce_and3A_688 masked %reduce_and3A_690 : vector<16xf32>, vector<16xi1> -> vector<16xf32>
      %reduce_and3A_692 = vector.extract %reduce_and3A_691[15] : f32 from vector<16xf32>
      %reduce_and3A_693 = arith.constant 0.000000e+00 : f32
      %reduce_and3A_694 = arith.cmpf ogt, %reduce_and3A_692, %reduce_and3A_693 : f32
      %add3A_695 = arith.constant 4 : i32
      %add3A_696 = arith.addi %while3A_204, %add3A_695 : i32
      scf.yield %add3A_696, %or3A_657, %or3A_678, %reduce_and3A_694 : i32, vector<16xi32>, vector<16xi32>, i1
    }
    "tpu.region"() ({
      %run_scoped3A = tpu.sem_alloc : memref<!tpu.dma_semaphore, #tpu.memory_space<semaphore_mem>>
      %dma_start3A_204 = arith.constant 0 : i32
      %dma_start3A_205 = arith.constant 0 : i32
      %dma_start3A_206 = tpu.memref_slice %arg3[%add3A, %dma_start3A_204, %dma_start3A_205] : memref<32x8x64xi32, #tpu.memory_space<hbm>> -> memref<1x8x64xi32, #tpu.memory_space<hbm>>
      %dma_start3A_207 = tpu.memref_squeeze %dma_start3A_206 : memref<1x8x64xi32, #tpu.memory_space<hbm>> -> memref<8x64xi32, #tpu.memory_space<hbm>>
      %dma_start3A_208 = arith.constant 0 : i32
      %dma_start3A_209 = arith.constant 0 : i32
      %dma_start3A_210 = tpu.memref_slice %arg3[%add3A, %dma_start3A_208, %dma_start3A_209] : memref<32x8x64xi32, #tpu.memory_space<hbm>> -> memref<1x8x64xi32, #tpu.memory_space<hbm>>
      %dma_start3A_211 = tpu.memref_squeeze %dma_start3A_210 : memref<1x8x64xi32, #tpu.memory_space<hbm>> -> memref<8x64xi32, #tpu.memory_space<hbm>>
      tpu.enqueue_dma source(%arg5 : memref<8x64xi32, #tpu.memory_space<vmem>>) target(%dma_start3A_211 : memref<8x64xi32, #tpu.memory_space<hbm>>) target_semaphore(%run_scoped3A : memref<!tpu.dma_semaphore, #tpu.memory_space<semaphore_mem>>)
      %dma_wait3A_212 = arith.constant 0 : i32
      %dma_wait3A_213 = arith.constant 0 : i32
      %dma_wait3A_214 = tpu.memref_slice %arg3[%add3A, %dma_wait3A_212, %dma_wait3A_213] : memref<32x8x64xi32, #tpu.memory_space<hbm>> -> memref<1x8x64xi32, #tpu.memory_space<hbm>>
      %dma_wait3A_215 = tpu.memref_squeeze %dma_wait3A_214 : memref<1x8x64xi32, #tpu.memory_space<hbm>> -> memref<8x64xi32, #tpu.memory_space<hbm>>
      %dma_wait3A_216 = arith.constant 0 : i32
      %dma_wait3A_217 = arith.constant 0 : i32
      %dma_wait3A_218 = tpu.memref_slice %arg3[%add3A, %dma_wait3A_216, %dma_wait3A_217] : memref<32x8x64xi32, #tpu.memory_space<hbm>> -> memref<1x8x64xi32, #tpu.memory_space<hbm>>
      %dma_wait3A_219 = tpu.memref_squeeze %dma_wait3A_218 : memref<1x8x64xi32, #tpu.memory_space<hbm>> -> memref<8x64xi32, #tpu.memory_space<hbm>>
      tpu.wait_dma2 semaphore(%run_scoped3A : memref<!tpu.dma_semaphore, #tpu.memory_space<semaphore_mem>>) src(%arg5 : memref<8x64xi32, #tpu.memory_space<vmem>>) dst(%dma_wait3A_219 : memref<8x64xi32, #tpu.memory_space<hbm>>)
      tpu.yield
    }) : () -> ()
    return
  }
}

</mosaic_0001>

<sc_bundles>
// kernel: kernel.3.cloned.1.call-start
scs
__scs_entry_jumppad:
0x0: {  	(pc) =	sbr.rel $0x88, $3  }
0x1: {  	(tag) =	ssettag $0x0;
	lr =	simm.s32 $0x1  }
0x2: {  	[smem:$0x3FA0] =	sst lr;
	_ =	strace $0xD0000000  }
0x3: {  	_ = 	snop  }
0x4: {  	_ = 	snop  }
0x5: {  	_ = 	snop  }
0x6: {  	_ = 	snop  }
0x7: {  	_ = 	snop  }
__scs_overlays_trampoline_lowered:
0x8: {  	[smem:$0x3FAF] =	sst s0  }
0x9: {  	[smem:$0x3FB0] =	sst s1  }
0xa: {  	[smem:$0x3FB1] =	sst s2  }
0xb: {  	[smem:$0x3FB2] =	sst s3  }
0xc: {  	[smem:$0x3FB3] =	sst s4  }
0xd: {  	[smem:$0x3FB4] =	sst s5  }
0xe: {  	[smem:$0x3FB5] =	sst s6  }
0xf: {  	[smem:$0x3FB6] =	sst s7  }
0x10: {  	[smem:$0x3FB7] =	sst s8  }
0x11: {  	[smem:$0x3FB8] =	sst s9;
	s0 =	simm.s32 @!p0 $0x0  }
0x12: {  	s1 =	sld [smem:$0x3F9E];
	s0 =	simm.s32 @p0 $0x1  }
0x13: {  	[smem:$0x3FB9] =	sst s0;
	s0 =	simm.s32 @!p1 $0x0  }
0x14: {  	s2 =	sld [smem:$0x3F9D];
	s0 =	simm.s32 @p1 $0x1  }
0x15: {  	[smem:$0x3FBA] =	sst s0;
	s0 =	simm.s32 @!p2 $0x0  }
0x16: {  	s3 =	sld [smem:$0x3FDB];
	s0 =	simm.s32 @p2 $0x1  }
0x17: {  	s4 =	simm.s32 $0x1BF5;
	[smem:$0x3FBC] =	sst s0  }
0x18: {  	s0 =	sld [smem:$0x3F9F];
	_ =	swait.ge [sflag:s4], $0x0  }
0x19: {  	s7 =	sld [smem:$0x3FA0]  }
0x1a: {  	s8 =	sadd.s32 $0xFFFFE003, lr  }
0x1b: {  	s9 =	sadd.s32 $0xFFFFFEF7, lr;
	s5 =	simm.s32 $0xFFFFFFFF;
	p2 =	slt.u32 s8, $0xFFFFF086  }
0x1c: {  	p1 =	slt.u32 s9, $0xF7A;
	s5 =	simm.s32 @!p2 $0x0  }
0x1d: {  	s5 =	simm.s32 @p1 $0x1;
	p0 =	seq.s32 s7, s2  }
0x1e: {  	s7 =	smul.u32 @!p0 $0xF7A, s2;
	p2 =	seq.s32 @!p0 s5, $0x0  }
0x1f: {  	s9 =	smul.u32 $0xF7A, s1;
	s8 =	simm.s32 @!p0 $0x1BF5;
	p2 =	por !p2, p0  }
0x20: {  	[sflag:s8] =	ssyncset.s32 @!p0 $0xFFFFF086;
	s6 =	sadd.s32 @!p0 s3, s7;
	s7 =	simm.s32 @!p0 $0x108  }
0x21: {  	s3 =	sadd.s32 s3, s9;
	s6 =	sadd.s32 @!p0 $0x88, s6;
	s7 =	simm.s32 @p2 $0x1082  }
0x22: {  	[simem:s7], [sflag:s8] =	dma.local @!p0 [hbm:s6], $0xF7A  }
0x23: {  	s9 =	sor.u32 $0xD0000000, s2;
	s6 =	simm.s32 $0x108;
	_ =	swait.ge @!p0 [sflag:s8], $0x0  }
0x24: {  	s3 =	sadd.s32 $0x88, s3;
	s6 =	simm.s32 @!p1 $0x1082;
	[sflag:s4] =	ssyncset.s32 $0xFFFFF086  }
0x25: {  	[simem:s6], [sflag:s4] =	dma.local [hbm:s3], $0xF7A  }
0x26: {  	[smem:$0x3FA0] =	sst s1;
	(tag) =	ssettag s2;
	_ =	strace s9  }
0x27: {  	s1 =	sld [smem:$0x3FB0]  }
0x28: {  	s2 =	sld [smem:$0x3FB1]  }
0x29: {  	s4 =	sld [smem:$0x3FB3]  }
0x2a: {  	p0 =	seq.s32 s5, $0x0;
	s5 =	sld [smem:$0x3FB4]  }
0x2b: {  	s6 =	sld [smem:$0x3FB5]  }
0x2c: {  	s7 =	sld [smem:$0x3FB6]  }
0x2d: {  	s3 =	simm.s32 $0x108;
	s8 =	sld [smem:$0x3FB7]  }
0x2e: {  	s3 =	simm.s32 @!p0 $0x1082;
	s9 =	sld [smem:$0x3FB8]  }
0x2f: {  	lr =	sadd.s32 s0, s3;
	s0 =	sld [smem:$0x3FAF]  }
0x30: {  	s3 =	sld [smem:$0x3FB2]  }
0x31: {  	[smem:$0x3FBB] =	sst s10  }
0x32: {  	s10 =	sld [smem:$0x3FB9];
	_ =	sdelay $0x3  }
0x33: {  	p0 =	seq.s32 s10, $0x1;
	s10 =	sld [smem:$0x3FBB];
	_ =	sdelay $0x3  }
0x34: {  	[smem:$0x3FBB] =	sst s10  }
0x35: {  	s10 =	sld [smem:$0x3FBA];
	_ =	sdelay $0x3  }
0x36: {  	p1 =	seq.s32 s10, $0x1;
	s10 =	sld [smem:$0x3FBB];
	_ =	sdelay $0x3  }
0x37: {  	[smem:$0x3FBB] =	sst s10  }
0x38: {  	s10 =	sld [smem:$0x3FBC]  }
0x39: {  	_ = 	snop;
	(pc) =	sbr.ind lr, $3  }
0x3a: {  	_ = 	snop  }
0x3b: {  	_ = 	snop  }
0x3c: {  	p2 =	seq.s32 s10, $0x1;
	s10 =	sld [smem:$0x3FBB]  }
0x3d: {  	_ =	shalt  }
0x3e: {  	_ =	shalt  }
0x3f: {  	_ =	shalt  }
0x40: {  	_ =	shalt  }
0x41: {  	_ =	shalt  }
0x42: {  	_ =	shalt  }
0x43: {  	_ =	shalt  }
0x44: {  	_ =	shalt  }
0x45: {  	_ =	shalt  }
0x46: {  	_ =	shalt  }
0x47: {  	_ =	shalt  }
0x48: {  	_ =	shalt  }
0x49: {  	_ =	shalt  }
0x4a: {  	_ =	shalt  }
0x4b: {  	_ =	shalt  }
0x4c: {  	_ =	shalt  }
0x4d: {  	_ =	shalt  }
0x4e: {  	_ =	shalt  }
0x4f: {  	_ =	shalt  }
0x50: {  	_ =	shalt  }
0x51: {  	_ =	shalt  }
0x52: {  	_ =	shalt  }
0x53: {  	_ =	shalt  }
0x54: {  	_ =	shalt  }
0x55: {  	_ =	shalt  }
0x56: {  	_ =	shalt  }
0x57: {  	_ =	shalt  }
0x58: {  	_ =	shalt  }
0x59: {  	_ =	shalt  }
0x5a: {  	_ =	shalt  }
0x5b: {  	_ =	shalt  }
0x5c: {  	_ =	shalt  }
0x5d: {  	_ =	shalt  }
0x5e: {  	_ =	shalt  }
0x5f: {  	_ =	shalt  }
0x60: {  	_ =	shalt  }
0x61: {  	_ =	shalt  }
0x62: {  	_ =	shalt  }
0x63: {  	_ =	shalt  }
0x64: {  	_ =	shalt  }
0x65: {  	_ =	shalt  }
0x66: {  	_ =	shalt  }
0x67: {  	_ =	shalt  }
0x68: {  	_ =	shalt  }
0x69: {  	_ =	shalt  }
0x6a: {  	_ =	shalt  }
0x6b: {  	_ =	shalt  }
0x6c: {  	_ =	shalt  }
0x6d: {  	_ =	shalt  }
0x6e: {  	_ =	shalt  }
0x6f: {  	_ =	shalt  }
0x70: {  	_ =	shalt  }
0x71: {  	_ =	shalt  }
0x72: {  	_ =	shalt  }
0x73: {  	_ =	shalt  }
0x74: {  	_ =	shalt  }
0x75: {  	_ =	shalt  }
0x76: {  	_ =	shalt  }
0x77: {  	_ =	shalt  }
0x78: {  	_ =	shalt  }
0x79: {  	_ =	shalt  }
0x7a: {  	_ =	shalt  }
0x7b: {  	_ =	shalt  }
0x7c: {  	_ =	shalt  }
0x7d: {  	_ =	shalt  }
0x7e: {  	_ =	shalt  }
0x7f: {  	_ =	shalt  }
0x80: {  	_ =	shalt  }
0x81: {  	_ =	shalt  }
0x82: {  	_ =	shalt  }
0x83: {  	_ =	shalt  }
0x84: {  	_ =	shalt  }
0x85: {  	_ =	shalt  }
0x86: {  	_ =	shalt  }
0x87: {  	_ =	shalt  }
.Lfunc_end0:
.L_simem_size_0:
called_computation_lowered:
.L_overlay_start_0:
0x88: {  	s2 =	sld [smem:$0x3FD9]  }
0x89: {  	s3 =	sld [smem:$0x3FFE];
	_ =	sdelay $0x1  }
0x8a: {  	s1 =	srdreg.scid  }
0x8b: {  	s0 =	sand.u32 $0x1, s1  }
0x8c: {  	s18 =	sshll.u32 s0, $0xA;
	s2 =	sadd.s32 s3, s2  }
0x8d: {  	s2 =	sadd.s32 s2, s18  }
0x8e: {  	[smem:$0x3FC7] =	sst s2  }
0x8f: {  	_ = 	snop  }
0x90: {  	s2 =	sld [smem:$0x3FC9]  }
0x91: {  	s19 =	sld [smem:$0x3FD0];
	(tm) =	ssettm $0x1  }
0x92: {  	s4 =	sld [smem:$0x3FFB];
	_ =	sdelay $0x3  }
0x93: {  	_ =	strace s4  }
0x94: {  	s4 =	sld [smem:$0x3FFC];
	_ =	sdelay $0x3  }
0x95: {  	_ =	strace s4  }
0x96: {  	s4 =	sld [smem:$0x3FFD];
	_ =	sdelay $0x3  }
0x97: {  	_ =	strace s4  }
0x98: {  	_ =	strace $0x8FFFFFFF  }
0x99: {  	s20 =	sld [smem:$0x3FDB];
	_ =	sdelay $0x1  }
0x9a: {  	s5 =	simm.s32 $_scs_section_size  }
0x9b: {  	s6 =	simm.s32 $_size__tile_overlayer_lowered;
	s7 =	simm.s32 $_tile_overlayer_lowered  }
0x9c: {  	s23 =	simm.s32 $0x1BFF;
	s22 =	sshll.u32 s7, $0x1;
	s4 =	sadd.s32 s5, s20  }
0x9d: {  	s8 =	simm.s32 $0x0;
	s21 =	sshll.u32 s6, $0x1;
	s6 =	sadd.s32 s22, s4  }
0x9e: {  	[timem:s8], [sflag:s23] =	dma.local [hbm:s6], s21  }
0x9f: {  	_ =	swait.ge [sflag:s23], s21  }
0xa0: {  	s5 =	ssub.s32 $0x0, s21;
	[sflag:s23] =	ssyncset.done $0x0  }
0xa1: {  	[sflag:s23] =	ssyncadd.s32 s5;
	_ =	sdelay $0x1  }
0xa2: {  	s24 =	simm.s32 $0x1B8B  }
0xa3: {  	_ =	swait.ge [sflag:s24], $0x1  }
0xa4: {  	[sflag:s24] =	ssyncset.done $0x0  }
0xa5: {  	s25 =	simm.s32 $0x1B8E;
	[sflag:s24] =	ssyncadd.s32 $0xFFFFFFFF  }
0xa6: {  	s26 =	simm.s32 $execute0_lowered;
	[smem:$0x3FD2] =	sst s25  }
0xa7: {  	s5 =	sshll.u32 s26, $0x1;
	_ =	strace $0x80000046;
	[dreg:$0x1] =	wrdreg $0xFFFFFFFF  }
0xa8: {  	s28 =	simm.s32 $_size_execute0_lowered;
	s4 =	sadd.s32 s4, s5;
	[dreg:$0x0] =	wrdreg $0x0  }
0xa9: {  	s5 =	sshll.u32 s28, $0x1;
	[dreg:$0x2] =	wrdreg s4  }
0xaa: {  	[dreg:$0x3] =	wrdreg s5  }
0xab: {  	[dreg:$0x4] =	wrdreg $0xC0  }
0xac: {  	_ =	task [dreg:s8], $0x5FFFF  }
0xad: {  	[dreg:$0x1] =	wrdreg $0xFFFFFFFF  }
0xae: {  	[dreg:$0x0] =	wrdreg $0x60  }
0xaf: {  	[dreg:$0x2] =	wrdreg s2  }
0xb0: {  	[dreg:$0x3] =	wrdreg s19  }
0xb1: {  	[dreg:$0x4] =	wrdreg $0x9  }
0xb2: {  	_ =	task.clear_ibuf [dreg:s8], $0x5FFFF;
	_ =	strace $0x90000046  }
0xb3: {  	s29 =	simm.s32 $0x9;
	_ =	strace $0x80000048  }
0xb4: {  	_ =	swait.ge [sflag:s29], $0x1  }
0xb5: {  	[sflag:s29] =	ssyncadd.s32 $0xFFFFFFFF  }
0xb6: {  	_ =	strace $0x90000048  }
0xb7: {  	_ =	sfence  }
0xb8: {  	s30 =	sld [smem:$0x0];
	_ =	sdelay $0x2  }
0xb9: {  	s31 =	sshll.u32 s1, $0xD;
	s1 =	sshrl.u32 s1, $0x2  }
0xba: {  	s3 =	sand.u32 $0x4000, s31;
	s1 =	sadd.s32 s1, s30  }
0xbb: {  	s0 =	sor.u32 s3, s0;
	s1 =	sshll.u32 s1, $0x11  }
0xbc: {  	s0 =	sor.u32 s1, s0  }
0xbd: {  	s0 =	sadd.s32 $0x8F2B, s0  }
0xbe: {  	[sflag:s0] =	ssyncadd.remote.s32 $0x1  }
0xbf: {  	_ =	sfence.sel $0xFFFF  }
0xc0: {  	[dreg:$0x0] =	wrdreg $0xFFFFFFFF;
	(pc) =	sbr.abs _section_cstart, $3  }
0xc1: {  	[dreg:$0x1] =	wrdreg $0xFFFFFFFF  }
0xc2: {  	_ =	task.clear_ibuf [dreg:s8], $0x2FFFF;
	_ =	strace $0x9FFFFFFF  }
0xc3: {  	(tm) =	ssettm $0x7FFFFFFF  }
tec
execute0_lowered:
.L_overlay_start_1:
0x0: {  	(tag) =	ssettag $0x1  }
0x1: {  	s0 =	srdreg.scid;
	s3 =	rddreg [dreg:$0x0]  }
0x2: {  	s4 =	stileid.u32;
	s24 =	rddreg [dreg:$0x1]  }
0x3: {  	s6 =	simm.s32 $0x0;
	s22 =	simm.s32 $0x80;
	s23 =	simm.s32 $0x80000  }
0x4: {  	s31 =	simm.s32 $0x1;
	s0 =	sand.u32 $0x1, s0;
	s1 =	sshll.u32 s4, $0x8  }
0x5: {  	s4 =	sshll.u32 s4, $0xF;
	s2 =	sshll.u32 s0, $0x7;
	s0 =	ssub.s32 $0x2, s0  }
0x6: {  	[smem:$0x7FF] =	sst s6;
	s1 =	sor.u32 s2, s1;
	s5 =	sshrl.u32 s0, $0x1  }
0x7: {  	_ =	strace $0x80000047;
	s4 =	sor.u32 s4, s1;
	s0 =	ssub.s32 s0, s5  }
0x8: {  	s1 =	sadd.s32 s24, s1;
	s24 =	simm.s32 $0x3;
	s4 =	sand.u32 $0x60380, s4  }
0x9: {  	[dreg:$0x3] =	wrdreg s1;
	s0 =	smax.u32 s0, $0x1;
	s4 =	sshrl.u32 s4, $0x3  }
0xa: {  	s1 =	simm.s32 $0x10000;
	[dreg:$0x4] =	wrdreg s0;
	s3 =	sadd.s32 s3, s4  }
0xb: {  	s0 =	simm.s32 $0x2;
	s4 =	sadd.s32 $0x800, s3;
	s25 =	sadd.s32 $0x80, s3  }
0xc: {  	s26 =	sadd.s32 $0x100, s3;
	s28 =	sadd.s32 $0x180, s3;
	s29 =	sadd.s32 $0x200, s3  }
0xd: {  	s30 =	sadd.s32 $0x280, s3;
	s12 =	sadd.s32 $0x300, s3;
	s13 =	sadd.s32 $0x380, s3  }
.Ltmp0:
0xe: {  	s14 =	sadd.s32 $0x400, s3;
	[dreg:$0x5] =	wrdreg s25;
	(pc) =	sbr.rel .LBB2_1-.Ltmp0, $4  }
0xf: {  	s15 =	sadd.s32 $0x480, s3;
	s16 =	sadd.s32 $0x500, s3;
	[dreg:$0x6] =	wrdreg s26  }
0x10: {  	v0 =	vimm.s32 $0xFFFFFFFF;
	s17 =	sadd.s32 $0x580, s3;
	s18 =	sadd.s32 $0x600, s3;
	[dreg:$0x7] =	wrdreg s28  }
0x11: {  	v1 =	vimm.f32 $0.0e+00;
	v2 =	vimm.s32 $0x4;
	v3 =	vimm.s32 $0x0;
	s19 =	sadd.s32 $0x680, s3;
	s20 =	sadd.s32 $0x700, s3;
	[dreg:$0x8] =	wrdreg s29  }
0x12: {  	v4 =	vimm.s32 $0x1;
	v5 =	vlaneseq.u32;
	v6 =	vimm.s32 $0xF;
	s21 =	sadd.s32 $0x780, s3;
	[dreg:$0x9] =	wrdreg s30;
	s25 =	simm.s32 $0x0  }
.LBB2_8:
0x13: {  	s6 =	simm.s32 $0x0;
	s2 =	rddreg [dreg:$0x3]  }
0x14: {  	[hbm4b:s2+s6] =	stream.linear.scatter [tilespmem:s1], [sflag:$0x3], $0x400, $0x38;
	[tilespmem:$0x10400] =	vst v63  }
0x15: {  	_ =	swait.ge [sflag:s24], $0x400  }
0x16: {  	s25 =	sadd.s32 $0x1, s25;
	s30 =	rddreg [dreg:$0x4]  }
0x17: {  	p0 =	sne.s32 s25, s30  }
.Ltmp1:
0x18: {  	_ = 	snop;
	(pc) =	sbr.rel @!p0 .LBB2_9-.Ltmp1, $3  }
0x19: {  	_ =	sdelay $0x1  }
0x1a: {  	[sflag:s24] =	ssyncset.done $0x0  }
0x1b: {  	[sflag:s24] =	ssyncadd.s32 $0xFFFFFC00  }
.LBB2_1:
0x1c: {  	[tilespmem:s6], [sflag:$0x1] =	stream.strided.gather [hbm4b:s3+s22], $0x180, s23, s22, $0x38;
	[tilespmem:$0x10400] =	vst v63  }
0x1d: {  	s2 =	rddreg [dreg:$0x5];
	s5 =	simm.s32 $0x200  }
0x1e: {  	[tilespmem:s5], [sflag:$0x1] =	stream.strided.gather [hbm4b:s2+s22], $0x180, s23, s22, $0x38;
	[tilespmem:$0x10400] =	vst v63  }
0x1f: {  	s8 =	rddreg [dreg:$0x6];
	s9 =	simm.s32 $0x400  }
0x20: {  	[tilespmem:s9], [sflag:$0x1] =	stream.strided.gather [hbm4b:s8+s22], $0x180, s23, s22, $0x38;
	[tilespmem:$0x10400] =	vst v63  }
0x21: {  	s10 =	rddreg [dreg:$0x7];
	s11 =	simm.s32 $0x600  }
0x22: {  	[tilespmem:s11], [sflag:$0x1] =	stream.strided.gather [hbm4b:s10+s22], $0x180, s23, s22, $0x38;
	[tilespmem:$0x10400] =	vst v63  }
0x23: {  	s26 =	rddreg [dreg:$0x8];
	s28 =	simm.s32 $0x800  }
0x24: {  	[tilespmem:s28], [sflag:$0x1] =	stream.strided.gather [hbm4b:s26+s22], $0x180, s23, s22, $0x38;
	[tilespmem:$0x10400] =	vst v63  }
0x25: {  	s29 =	rddreg [dreg:$0x9];
	s30 =	simm.s32 $0xA00  }
0x26: {  	[tilespmem:s30], [sflag:$0x1] =	stream.strided.gather [hbm4b:s29+s22], $0x180, s23, s22, $0x38;
	[tilespmem:$0x10400] =	vst v63  }
0x27: {  	s6 =	simm.s32 $0xC00  }
0x28: {  	[tilespmem:s6], [sflag:$0x1] =	stream.strided.gather [hbm4b:s12+s22], $0x180, s23, s22, $0x38;
	[tilespmem:$0x10400] =	vst v63  }
0x29: {  	s7 =	simm.s32 $0xE00  }
0x2a: {  	[tilespmem:s7], [sflag:$0x1] =	stream.strided.gather [hbm4b:s13+s22], $0x180, s23, s22, $0x38;
	[tilespmem:$0x10400] =	vst v63  }
0x2b: {  	s8 =	simm.s32 $0x1000  }
0x2c: {  	[tilespmem:s8], [sflag:$0x1] =	stream.strided.gather [hbm4b:s14+s22], $0x180, s23, s22, $0x38;
	[tilespmem:$0x10400] =	vst v63  }
0x2d: {  	s9 =	simm.s32 $0x1200  }
0x2e: {  	[tilespmem:s9], [sflag:$0x1] =	stream.strided.gather [hbm4b:s15+s22], $0x180, s23, s22, $0x38;
	[tilespmem:$0x10400] =	vst v63  }
0x2f: {  	s10 =	simm.s32 $0x1400  }
0x30: {  	[tilespmem:s10], [sflag:$0x1] =	stream.strided.gather [hbm4b:s16+s22], $0x180, s23, s22, $0x38;
	[tilespmem:$0x10400] =	vst v63  }
0x31: {  	s11 =	simm.s32 $0x1600  }
0x32: {  	[tilespmem:s11], [sflag:$0x1] =	stream.strided.gather [hbm4b:s17+s22], $0x180, s23, s22, $0x38;
	[tilespmem:$0x10400] =	vst v63  }
0x33: {  	s26 =	simm.s32 $0x1800  }
0x34: {  	[tilespmem:s26], [sflag:$0x1] =	stream.strided.gather [hbm4b:s18+s22], $0x180, s23, s22, $0x38;
	[tilespmem:$0x10400] =	vst v63  }
0x35: {  	s28 =	simm.s32 $0x1A00  }
0x36: {  	[tilespmem:s28], [sflag:$0x1] =	stream.strided.gather [hbm4b:s19+s22], $0x180, s23, s22, $0x38;
	[tilespmem:$0x10400] =	vst v63  }
0x37: {  	s2 =	simm.s32 $0x2000;
	s5 =	simm.s32 $0x80;
	s29 =	simm.s32 $0x1C00  }
0x38: {  	[tilespmem:s29], [sflag:$0x1] =	stream.strided.gather [hbm4b:s20+s22], $0x180, s23, s22, $0x38;
	[tilespmem:$0x10400] =	vst v63  }
0x39: {  	s30 =	simm.s32 $0x1E00;
	s6 =	simm.s32 $0x2200;
	s7 =	sadd.s32 $0x0, s4  }
0x3a: {  	[tilespmem:s30], [sflag:$0x1] =	stream.strided.gather [hbm4b:s21+s22], $0x180, s23, s22, $0x38;
	[tilespmem:$0x10400] =	vst v63  }
.LBB2_2:
0x3b: {  	[tilespmem:s2], [sflag:$0x2] =	stream.strided.gather [hbm4b:s7+s22], $0x180, s23, s22, $0x38;
	[tilespmem:$0x10400] =	vst v63  }
0x3c: {  	s7 =	smov.u32 s5;
	s2 =	smov.u32 s6;
	p0 =	sne.s32 s5, $0x3780  }
.Ltmp2:
0x3d: {  	s5 =	sadd.s32 $0x80, s5;
	(pc) =	sbr.rel @p0 .LBB2_2-.Ltmp2, $2  }
0x3e: {  	_ =	sdelay $0x2  }
0x3f: {  	s6 =	sadd.s32 $0x200, s6;
	s7 =	sadd.s32 s7, s4  }
0x40: {  	[tilespmem:s2], [sflag:$0x2] =	stream.strided.gather [hbm4b:s7+s22], $0x180, s23, s22, $0x38;
	[tilespmem:$0x10400] =	vst v63  }
0x41: {  	[tilespmem:$0x10000] =	vst v0  }
0x42: {  	[tilespmem:$0x10010] =	vst v0  }
0x43: {  	[tilespmem:$0x10020] =	vst v0  }
0x44: {  	[tilespmem:$0x10030] =	vst v0  }
0x45: {  	[tilespmem:$0x10080] =	vst v0  }
0x46: {  	[tilespmem:$0x10090] =	vst v0  }
0x47: {  	[tilespmem:$0x100A0] =	vst v0  }
0x48: {  	[tilespmem:$0x100B0] =	vst v0  }
0x49: {  	[tilespmem:$0x10100] =	vst v0  }
0x4a: {  	[tilespmem:$0x10110] =	vst v0  }
0x4b: {  	[tilespmem:$0x10120] =	vst v0  }
0x4c: {  	[tilespmem:$0x10130] =	vst v0  }
0x4d: {  	[tilespmem:$0x10180] =	vst v0  }
0x4e: {  	[tilespmem:$0x10190] =	vst v0  }
0x4f: {  	[tilespmem:$0x101A0] =	vst v0  }
0x50: {  	[tilespmem:$0x101B0] =	vst v0  }
0x51: {  	[tilespmem:$0x10200] =	vst v0  }
0x52: {  	[tilespmem:$0x10210] =	vst v0  }
0x53: {  	[tilespmem:$0x10220] =	vst v0  }
0x54: {  	[tilespmem:$0x10230] =	vst v0  }
0x55: {  	[tilespmem:$0x10280] =	vst v0  }
0x56: {  	[tilespmem:$0x10290] =	vst v0  }
0x57: {  	[tilespmem:$0x102A0] =	vst v0  }
0x58: {  	[tilespmem:$0x102B0] =	vst v0  }
0x59: {  	[tilespmem:$0x10300] =	vst v0  }
0x5a: {  	[tilespmem:$0x10310] =	vst v0  }
0x5b: {  	[tilespmem:$0x10320] =	vst v0  }
0x5c: {  	[tilespmem:$0x10330] =	vst v0  }
0x5d: {  	[tilespmem:$0x10380] =	vst v0  }
0x5e: {  	[tilespmem:$0x10390] =	vst v0  }
0x5f: {  	[tilespmem:$0x103A0] =	vst v0  }
0x60: {  	s9 =	simm.s32 $0x0;
	p1 =	por $0x0, $0x0;
	[tilespmem:$0x103B0] =	vst v0  }
0x61: {  	s30 =	simm.s32 $0x30;
	s6 =	simm.s32 $0x100;
	_ =	swait.ge [sflag:s31], $0x1800  }
0x62: {  	s7 =	simm.s32 $0x70;
	s2 =	simm.s32 $0x0;
	[sflag:s31] =	ssyncset.done $0x0  }
0x63: {  	v7 =	vimm.s32 $0x0;
	s5 =	simm.s32 $0x0;
	v8 =	vimm.s32 $0x0;
	s10 =	simm.s32 $0x0;
	[sflag:s31] =	ssyncadd.s32 $0xFFFFE800  }
.LBB2_4:
0x64: {  	s8 =	sadd.s32 $0xFFFFFFD0, s30  }
0x65: {  	s11 =	simm.s32 $0x1;
	s28 =	sand.u32 $0x1E00, s2;
	s26 =	sand.u32 $0x40, s8  }
0x66: {  	s11 =	simm.s32 @!p1 $0x0;
	s26 =	sor.u32 s26, s28  }
0x67: {  	s11 =	sshll.u32 s11, $0x6;
	v9 =	vld [tilespmem:s26+$0x0]  }
0x68: {  	v10 =	vld [tilespmem:s26+$0x80];
	s11 =	sadd.s32 s11, s2  }
0x69: {  	s11 =	sor.u32 $0x100, s11  }
0x6a: {  	v11 =	vld [tilespmem:s11+$0x0];
	_ =	sdelay $0x2  }
0x6b: {  	v12 =	vmul.f32 v9, v9;
	v13 =	vmul.f32 v10, v10;
	_ =	sdelay $0x1  }
0x6c: {  	v12 =	vadd.f32 v13, v12;
	v23 =	vmul.f32 v11, v11  }
0x6d: {  	vm0 =	vgt.f32 v10, $0.0e+00;
	vm1 =	vgt.f32 v11, $0.0e+00  }
0x6e: {  	v10 =	vsel vm0, $0x2, v3;
	v11 =	vsel vm1, $0x1, v3;
	v12 =	vadd.f32 v23, v12  }
0x6f: {  	vm10 =	vgt.f32 v9, $0.0e+00;
	v9 =	vor.u32 v11, v10  }
0x70: {  	vm11 =	vmneg vm10;
	v10 =	vshll.u32 v9, $0x3;
	vm2 =	vle.f32 v12, $1.000000000e+00  }
0x71: {  	v11 =	vshll.u32 v4, v10;
	vm3 =	vmand vm11, vm2  }
0x72: {  	vm0 =	vmand vm2, vm10;
	v24 =	vnsel vm3, $0x0, v11  }
0x73: {  	v11 =	vnsel vm0, $0x0, v11;
	(xrf0) =	vadd.scan.msk.s32 $0xffff, v24  }
0x74: {  	(xrf0) =	vadd.scan.msk.s32 $0xffff, v11;
	_ =	sdelay $0x4  }
0x75: {  	v11, _, _ =	vpop (xrf0)  }
0x76: {  	v25, _, _ =	vpop (xrf0)  }
0x77: {  	v26 =	vadd.s32 v8, v11;
	v14 =	vadd.s32 v7, v25  }
0x78: {  	v13 =	vsel vm11, v26, v14  }
0x79: {  	v10 =	vshra.s32 v13, v10  }
0x7a: {  	v10 =	vand.u32 $0xFF, v10  }
0x7b: {  	vm12 =	vlt.u32 v10, $0x41  }
0x7c: {  	v27 =	vsel vm11, $0x0, v2;
	v10 =	vadd.s32 $0xFFFFFFFF, v10;
	vm0 =	vmand vm2, vm12  }
0x7d: {  	v9 =	vor.u32 v27, v9;
	v10 =	vnsel vm0, $0x0, v10  }
0x7e: {  	v9 =	vshll.u32 v9, $0x7;
	v28 =	vand.u32 $0xFFFFFF80, v10  }
0x7f: {  	v10 =	vand.u32 $0x7F, v10;
	v9 =	vadd.s32 v9, v28  }
0x80: {  	v9 =	vor.u32 v10, v9;
	_ =	sdelay $0x2  }
0x81: {  	s11 =	sadd.s32 $0xFFFFFFE0, s30  }
0x82: {  	s26 =	sand.u32 $0x7, s5;
	v10 =	vor.u32 s8, v5;
	s8 =	sand.u32 $0x50, s11  }
0x83: {  	s26 =	sshll.u32 s26, $0x4;
	s8 =	sor.u32 s8, s28;
	[tilespmem:v9+s1+$0x0] =	vst.idx.msk vm0, v10  }
0x84: {  	s29 =	sadd.s32 s2, s26;
	v9 =	vld [tilespmem:s8+$0x0]  }
0x85: {  	s26 =	sadd.s32 $0x10, s29;
	v10 =	vld [tilespmem:s8+$0x80]  }
0x86: {  	s8 =	sor.u32 $0x100, s26  }
0x87: {  	v29 =	vld [tilespmem:s8+$0x0];
	_ =	sdelay $0x2  }
0x88: {  	v30 =	vmul.f32 v9, v9;
	v15 =	vmul.f32 v10, v10;
	_ =	sdelay $0x1  }
0x89: {  	v31 =	vmul.f32 v29, v29;
	v14 =	vadd.f32 v15, v30  }
0x8a: {  	vm13 =	vgt.f32 v10, $0.0e+00;
	vm14 =	vgt.f32 v29, $0.0e+00  }
0x8b: {  	v10 =	vsel vm13, $0x2, v3;
	v13 =	vsel vm14, $0x1, v3;
	v14 =	vadd.f32 v31, v14  }
0x8c: {  	vm15 =	vgt.f32 v9, $0.0e+00;
	v9 =	vor.u32 v13, v10  }
0x8d: {  	vm6 =	vmneg vm15;
	v10 =	vshll.u32 v9, $0x3;
	vm7 =	vle.f32 v14, $1.000000000e+00  }
0x8e: {  	v32 =	vshll.u32 v4, v10;
	vm8 =	vmand vm6, vm7  }
0x8f: {  	vm0 =	vmand vm7, vm15;
	v33 =	vnsel vm8, $0x0, v32  }
0x90: {  	v13 =	vnsel vm0, $0x0, v32;
	(xrf0) =	vadd.scan.msk.s32 $0xffff, v33  }
0x91: {  	(xrf0) =	vadd.scan.msk.s32 $0xffff, v13;
	_ =	sdelay $0x1  }
0x92: {  	v11 =	vperm.xlane v11, v6;
	_ =	sdelay $0x1  }
0x93: {  	v12 =	vperm.xlane v25, v6  }
0x94: {  	v34, _, _ =	vpop (xrf0)  }
0x95: {  	v8 =	vadd.s32 v8, v11;
	v7 =	vadd.s32 v7, v12;
	v11, _, _ =	vpop (xrf0)  }
0x96: {  	v35 =	vadd.s32 v8, v34;
	v36 =	vadd.s32 v7, v11  }
0x97: {  	v12 =	vsel vm6, v35, v36  }
0x98: {  	v10 =	vshra.s32 v12, v10  }
0x99: {  	v10 =	vand.u32 $0xFF, v10  }
0x9a: {  	vm9 =	vlt.u32 v10, $0x41  }
0x9b: {  	v37 =	vsel vm6, $0x0, v2;
	v10 =	vadd.s32 $0xFFFFFFFF, v10;
	vm0 =	vmand vm7, vm9  }
0x9c: {  	v9 =	vor.u32 v37, v9;
	v10 =	vnsel vm0, $0x0, v10  }
0x9d: {  	v9 =	vshll.u32 v9, $0x7;
	v38 =	vand.u32 $0xFFFFFF80, v10  }
0x9e: {  	v10 =	vand.u32 $0x7F, v10;
	v9 =	vadd.s32 v9, v38  }
0x9f: {  	v9 =	vor.u32 v10, v9;
	_ =	sdelay $0x2  }
0xa0: {  	s8 =	smov.u32 s9;
	s9 =	sadd.s32 $0xFFFFFFF0, s30  }
0xa1: {  	s26 =	sand.u32 $0x3, s8;
	v10 =	vor.u32 s11, v5;
	s11 =	sand.u32 $0x60, s9  }
0xa2: {  	s26 =	sshll.u32 s26, $0x5;
	s11 =	sor.u32 s11, s28;
	[tilespmem:v9+s1+$0x0] =	vst.idx.msk vm0, v10  }
0xa3: {  	s26 =	sadd.s32 s2, s26;
	v9 =	vld [tilespmem:s11+$0x0]  }
0xa4: {  	s26 =	sadd.s32 $0x20, s26;
	v10 =	vld [tilespmem:s11+$0x80]  }
0xa5: {  	s11 =	sor.u32 $0x100, s26  }
0xa6: {  	v39 =	vld [tilespmem:s11+$0x0];
	_ =	sdelay $0x2  }
0xa7: {  	v40 =	vmul.f32 v9, v9;
	v41 =	vmul.f32 v10, v10;
	_ =	sdelay $0x1  }
0xa8: {  	v42 =	vmul.f32 v39, v39;
	v14 =	vadd.f32 v41, v40  }
0xa9: {  	vm10 =	vgt.f32 v10, $0.0e+00;
	vm11 =	vgt.f32 v39, $0.0e+00  }
0xaa: {  	v10 =	vsel vm10, $0x2, v3;
	v12 =	vsel vm11, $0x1, v3;
	v14 =	vadd.f32 v42, v14  }
0xab: {  	vm12 =	vgt.f32 v9, $0.0e+00;
	v9 =	vor.u32 v12, v10  }
0xac: {  	vm13 =	vmneg vm12;
	v10 =	vshll.u32 v9, $0x3;
	vm14 =	vle.f32 v14, $1.000000000e+00  }
0xad: {  	v43 =	vshll.u32 v4, v10;
	vm15 =	vmand vm13, vm14  }
0xae: {  	vm0 =	vmand vm14, vm12;
	v44 =	vnsel vm15, $0x0, v43  }
0xaf: {  	v12 =	vnsel vm0, $0x0, v43;
	(xrf0) =	vadd.scan.msk.s32 $0xffff, v44  }
0xb0: {  	(xrf0) =	vadd.scan.msk.s32 $0xffff, v12;
	_ =	sdelay $0x1  }
0xb1: {  	v11 =	vperm.xlane v11, v6;
	_ =	sdelay $0x1  }
0xb2: {  	v45 =	vperm.xlane v34, v6  }
0xb3: {  	v46, _, _ =	vpop (xrf0)  }
0xb4: {  	v8 =	vadd.s32 v8, v45;
	v7 =	vadd.s32 v7, v11;
	v11, _, _ =	vpop (xrf0)  }
0xb5: {  	v12 =	vadd.s32 v8, v46;
	v47 =	vadd.s32 v7, v11  }
0xb6: {  	v12 =	vsel vm13, v12, v47  }
0xb7: {  	v10 =	vshra.s32 v12, v10  }
0xb8: {  	v10 =	vand.u32 $0xFF, v10  }
0xb9: {  	vm6 =	vlt.u32 v10, $0x41  }
0xba: {  	v48 =	vsel vm13, $0x0, v2;
	v10 =	vadd.s32 $0xFFFFFFFF, v10;
	vm0 =	vmand vm14, vm6  }
0xbb: {  	v9 =	vor.u32 v48, v9;
	v10 =	vnsel vm0, $0x0, v10  }
0xbc: {  	v9 =	vshll.u32 v9, $0x7;
	v49 =	vand.u32 $0xFFFFFF80, v10  }
0xbd: {  	v10 =	vand.u32 $0x7F, v10;
	v9 =	vadd.s32 v9, v49  }
0xbe: {  	v9 =	vor.u32 v10, v9;
	_ =	sdelay $0x3  }
0xbf: {  	s11 =	sand.u32 $0x70, s30;
	v10 =	vor.u32 s9, v5  }
0xc0: {  	s9 =	sor.u32 s11, s28;
	[tilespmem:v9+s1+$0x0] =	vst.idx.msk vm0, v10  }
0xc1: {  	v9 =	vld [tilespmem:s9+$0x0]  }
0xc2: {  	s26 =	sadd.s32 $0x30, s29;
	v10 =	vld [tilespmem:s9+$0x80]  }
0xc3: {  	s9 =	sor.u32 $0x100, s26  }
0xc4: {  	v50 =	vld [tilespmem:s9+$0x0];
	_ =	sdelay $0x2  }
0xc5: {  	v51 =	vmul.f32 v9, v9;
	v52 =	vmul.f32 v10, v10;
	_ =	sdelay $0x1  }
0xc6: {  	v53 =	vmul.f32 v50, v50;
	v14 =	vadd.f32 v52, v51  }
0xc7: {  	vm7 =	vgt.f32 v10, $0.0e+00;
	vm8 =	vgt.f32 v50, $0.0e+00  }
0xc8: {  	v10 =	vsel vm7, $0x2, v3;
	v12 =	vsel vm8, $0x1, v3;
	v14 =	vadd.f32 v53, v14  }
0xc9: {  	vm9 =	vgt.f32 v9, $0.0e+00;
	v9 =	vor.u32 v12, v10  }
0xca: {  	vm10 =	vmneg vm9;
	v10 =	vshll.u32 v9, $0x3;
	vm11 =	vle.f32 v14, $1.000000000e+00  }
0xcb: {  	v54 =	vshll.u32 v4, v10;
	vm12 =	vmand vm10, vm11  }
0xcc: {  	vm2 =	vmand vm11, vm9;
	v55 =	vnsel vm12, $0x0, v54  }
0xcd: {  	v12 =	vnsel vm2, $0x0, v54;
	(xrf0) =	vadd.scan.msk.s32 $0xffff, v55  }
0xce: {  	(xrf0) =	vadd.scan.msk.s32 $0xffff, v12;
	_ =	sdelay $0x4  }
0xcf: {  	v13 =	vperm.xlane v46, v6;
	v56, _, _ =	vpop (xrf0)  }
0xd0: {  	v11 =	vperm.xlane v11, v6;
	v57, _, _ =	vpop (xrf0);
	v58 =	vperm.xlane v56, v6  }
0xd1: {  	v13 =	vadd.s32 v8, v13;
	v8 =	vperm.xlane v57, v6  }
0xd2: {  	v11 =	vadd.s32 v7, v11;
	v7 =	vadd.s32 v13, v58  }
0xd3: {  	v8 =	vadd.s32 v11, v8;
	v15 =	vshrl.u32 v7, $0x6  }
0xd4: {  	v16 =	vshrl.u32 v7, $0x7;
	v59 =	vshrl.u32 v8, $0x6;
	v17 =	vshrl.u32 v8, $0x7  }
0xd5: {  	v15 =	vor.u32 v16, v15;
	v16 =	vor.u32 v17, v59  }
0xd6: {  	v15 =	vand.u32 $0x1010101, v15;
	v16 =	vand.u32 $0x1010101, v16  }
0xd7: {  	v60 =	vmul.u32 $0xFF, v15;
	v18 =	vmul.u32 $0xFF, v16  }
0xd8: {  	v62 =	vshll.u32 v16, $0x6  }
0xd9: {  	v7 =	vandn.u32 v7, v60;
	v61 =	vandn.u32 v8, v18;
	v8 =	vshll.u32 v15, $0x6  }
0xda: {  	v8 =	vor.u32 v8, v7;
	v7 =	vor.u32 v62, v61  }
0xdb: {  	vm13 =	veq.s32 v8, $0x40404040;
	vm14 =	veq.s32 v7, $0x40404040  }
0xdc: {  	vm2 =	vmand vm13, vm14  }
0xdd: {  	v63 =	vsel vm2, $0x3F800000, v1  }
0xde: {  	(xrf0) =	vmin.scan.msk.f32 $0xffff, v63;
	_ =	sdelay $0x5  }
0xdf: {  	v15, _, _ =	vpop (xrf0)  }
0xe0: {  	(v2sf) =	vpush v15, $0xF;
	_ =	sdelay $0x8  }
0xe1: {  	v12 =	vadd.s32 v13, v56;
	v11 =	vadd.s32 v11, v57  }
0xe2: {  	v11 =	vsel vm10, v12, v11  }
0xe3: {  	v10 =	vshra.s32 v11, v10  }
0xe4: {  	v10 =	vand.u32 $0xFF, v10  }
0xe5: {  	vm15 =	vlt.u32 v10, $0x41  }
0xe6: {  	v11 =	vsel vm10, $0x0, v2;
	v10 =	vadd.s32 $0xFFFFFFFF, v10;
	vm0 =	vmand vm11, vm15  }
0xe7: {  	p2 =	sgt.u32 s10, $0x7B;
	v9 =	vor.u32 v11, v9;
	v10 =	vnsel vm0, $0x0, v10;
	s11 =	spop (v2sf)  }
0xe8: {  	v9 =	vshll.u32 v9, $0x7;
	v11 =	vand.u32 $0xFFFFFF80, v10;
	p3 =	sgt.f32 @!p2 s11, $0.0e+00  }
0xe9: {  	v10 =	vand.u32 $0x7F, v10;
	v9 =	vadd.s32 v9, v11  }
0xea: {  	v9 =	vor.u32 v10, v9;
	p2 =	por p2, p3  }
.Ltmp3:
0xeb: {  	_ = 	snop;
	(pc) =	sbr.rel @!p2 .LBB2_4-.Ltmp3, $4  }
0xec: {  	p0 =	por p1, p1;
	p1 =	por !p1, !p1;
	s5 =	sadd.s32 $0x4, s5  }
0xed: {  	s2 =	sadd.s32 $0x100, s2;
	s29 =	smov.u32 s7;
	s7 =	sadd.s32 $0x40, s7  }
0xee: {  	s28 =	smov.u32 s6;
	s6 =	sadd.s32 $0x100, s6;
	s26 =	smov.u32 s10;
	v10 =	vor.u32 s30, v5  }
0xef: {  	s10 =	sadd.s32 $0x4, s10;
	s9 =	sadd.s32 $0x2, s8;
	s30 =	sadd.s32 $0x40, s30;
	[tilespmem:v9+s1+$0x0] =	vst.idx.msk vm0, v10  }
0xf0: {  	p1 =	sgt.f32 s11, $0.0e+00  }
.Ltmp4:
0xf1: {  	_ = 	snop;
	(pc) =	sbr.rel @p1 .LBB2_8-.Ltmp4, $4  }
0xf2: {  	_ = 	snop  }
0xf3: {  	_ =	swait.ge [sflag:s0], $0xA800  }
0xf4: {  	[sflag:s0] =	ssyncset.done $0x0  }
0xf5: {  	[sflag:s0] =	ssyncadd.s32 $0xFFFF5800  }
0xf6: {  	s2 =	sxor.u32 $0x7, s26;
	s5 =	sxor.u32 $0x3, s8;
	p0 =	por !p0, !p0  }
.LBB2_7:
0xf7: {  	s7 =	sadd.s32 $0xFFFFFFD0, s29  }
0xf8: {  	s8 =	simm.s32 $0x1;
	s6 =	sand.u32 $0xFE00, s28;
	s9 =	sand.u32 $0x40, s7  }
0xf9: {  	s8 =	simm.s32 @!p0 $0x0;
	s9 =	sor.u32 s9, s6  }
0xfa: {  	s8 =	sshll.u32 s8, $0x6;
	v9 =	vld [tilespmem:s9+$0x0]  }
0xfb: {  	v10 =	vld [tilespmem:s9+$0x80];
	s8 =	sadd.s32 s8, s28  }
0xfc: {  	s8 =	sor.u32 $0x100, s8  }
0xfd: {  	v11 =	vld [tilespmem:s8+$0x0];
	_ =	sdelay $0x2  }
0xfe: {  	v12 =	vmul.f32 v9, v9;
	v13 =	vmul.f32 v10, v10;
	_ =	sdelay $0x1  }
0xff: {  	v12 =	vadd.f32 v13, v12;
	v23 =	vmul.f32 v11, v11  }
0x100: {  	vm0 =	vgt.f32 v10, $0.0e+00;
	vm1 =	vgt.f32 v11, $0.0e+00  }
0x101: {  	v10 =	vsel vm0, $0x2, v3;
	v11 =	vsel vm1, $0x1, v3;
	v12 =	vadd.f32 v23, v12  }
0x102: {  	vm10 =	vgt.f32 v9, $0.0e+00;
	v9 =	vor.u32 v11, v10  }
0x103: {  	vm11 =	vmneg vm10;
	v10 =	vshll.u32 v9, $0x3;
	vm2 =	vle.f32 v12, $1.000000000e+00  }
0x104: {  	v11 =	vshll.u32 v4, v10;
	vm3 =	vmand vm11, vm2  }
0x105: {  	vm0 =	vmand vm2, vm10;
	v24 =	vnsel vm3, $0x0, v11  }
0x106: {  	v11 =	vnsel vm0, $0x0, v11;
	(xrf0) =	vadd.scan.msk.s32 $0xffff, v24  }
0x107: {  	(xrf0) =	vadd.scan.msk.s32 $0xffff, v11;
	_ =	sdelay $0x4  }
0x108: {  	v11, _, _ =	vpop (xrf0)  }
0x109: {  	v25, _, _ =	vpop (xrf0)  }
0x10a: {  	v26 =	vadd.s32 v8, v11;
	v14 =	vadd.s32 v7, v25  }
0x10b: {  	v13 =	vsel vm11, v26, v14  }
0x10c: {  	v10 =	vshra.s32 v13, v10  }
0x10d: {  	v10 =	vand.u32 $0xFF, v10  }
0x10e: {  	vm12 =	vlt.u32 v10, $0x41  }
0x10f: {  	v27 =	vsel vm11, $0x0, v2;
	v10 =	vadd.s32 $0xFFFFFFFF, v10;
	vm0 =	vmand vm2, vm12  }
0x110: {  	v9 =	vor.u32 v27, v9;
	v10 =	vnsel vm0, $0x0, v10  }
0x111: {  	v9 =	vshll.u32 v9, $0x7;
	v28 =	vand.u32 $0xFFFFFF80, v10  }
0x112: {  	v10 =	vand.u32 $0x7F, v10;
	v9 =	vadd.s32 v9, v28  }
0x113: {  	v9 =	vor.u32 v10, v9;
	_ =	sdelay $0x2  }
0x114: {  	s11 =	sadd.s32 $0xFFFFFFE0, s29  }
0x115: {  	s26 =	sand.u32 $0x50, s11;
	v10 =	vor.u32 s7, v5  }
0x116: {  	s30 =	sor.u32 s26, s6;
	[tilespmem:v9+s1+$0x0] =	vst.idx.msk vm0, v10  }
0x117: {  	v9 =	vld [tilespmem:s30+$0x0]  }
0x118: {  	s7 =	sadd.s32 s26, s28;
	v10 =	vld [tilespmem:s30+$0x80]  }
0x119: {  	s7 =	sor.u32 $0x100, s7  }
0x11a: {  	v29 =	vld [tilespmem:s7+$0x0];
	_ =	sdelay $0x2  }
0x11b: {  	v30 =	vmul.f32 v9, v9;
	v15 =	vmul.f32 v10, v10;
	_ =	sdelay $0x1  }
0x11c: {  	v31 =	vmul.f32 v29, v29;
	v14 =	vadd.f32 v15, v30  }
0x11d: {  	vm13 =	vgt.f32 v10, $0.0e+00;
	vm14 =	vgt.f32 v29, $0.0e+00  }
0x11e: {  	v10 =	vsel vm13, $0x2, v3;
	v13 =	vsel vm14, $0x1, v3;
	v14 =	vadd.f32 v31, v14  }
0x11f: {  	vm15 =	vgt.f32 v9, $0.0e+00;
	v9 =	vor.u32 v13, v10  }
0x120: {  	vm6 =	vmneg vm15;
	v10 =	vshll.u32 v9, $0x3;
	vm7 =	vle.f32 v14, $1.000000000e+00  }
0x121: {  	v32 =	vshll.u32 v4, v10;
	vm8 =	vmand vm6, vm7  }
0x122: {  	vm0 =	vmand vm7, vm15;
	v33 =	vnsel vm8, $0x0, v32  }
0x123: {  	v13 =	vnsel vm0, $0x0, v32;
	(xrf0) =	vadd.scan.msk.s32 $0xffff, v33  }
0x124: {  	(xrf0) =	vadd.scan.msk.s32 $0xffff, v13;
	_ =	sdelay $0x1  }
0x125: {  	v11 =	vperm.xlane v11, v6;
	_ =	sdelay $0x1  }
0x126: {  	v12 =	vperm.xlane v25, v6  }
0x127: {  	v34, _, _ =	vpop (xrf0)  }
0x128: {  	v8 =	vadd.s32 v8, v11;
	v7 =	vadd.s32 v7, v12;
	v11, _, _ =	vpop (xrf0)  }
0x129: {  	v35 =	vadd.s32 v8, v34;
	v36 =	vadd.s32 v7, v11  }
0x12a: {  	v12 =	vsel vm6, v35, v36  }
0x12b: {  	v10 =	vshra.s32 v12, v10  }
0x12c: {  	v10 =	vand.u32 $0xFF, v10  }
0x12d: {  	vm9 =	vlt.u32 v10, $0x41  }
0x12e: {  	v37 =	vsel vm6, $0x0, v2;
	v10 =	vadd.s32 $0xFFFFFFFF, v10;
	vm0 =	vmand vm7, vm9  }
0x12f: {  	v9 =	vor.u32 v37, v9;
	v10 =	vnsel vm0, $0x0, v10  }
0x130: {  	v9 =	vshll.u32 v9, $0x7;
	v38 =	vand.u32 $0xFFFFFF80, v10  }
0x131: {  	v10 =	vand.u32 $0x7F, v10;
	v9 =	vadd.s32 v9, v38  }
0x132: {  	v9 =	vor.u32 v10, v9;
	_ =	sdelay $0x2  }
0x133: {  	s7 =	sadd.s32 $0xFFFFFFF0, s29  }
0x134: {  	v10 =	vor.u32 s11, v5;
	s11 =	sand.u32 $0x60, s7  }
0x135: {  	s26 =	sand.u32 $0x3, s5;
	s8 =	sor.u32 s11, s6;
	[tilespmem:v9+s1+$0x0] =	vst.idx.msk vm0, v10  }
0x136: {  	s9 =	sshll.u32 s26, $0x5;
	v9 =	vld [tilespmem:s8+$0x0]  }
0x137: {  	s9 =	sadd.s32 s9, s28;
	v10 =	vld [tilespmem:s8+$0x80]  }
0x138: {  	s30 =	sor.u32 $0x100, s9  }
0x139: {  	v39 =	vld [tilespmem:s30+$0x0];
	_ =	sdelay $0x2  }
0x13a: {  	v40 =	vmul.f32 v9, v9;
	v41 =	vmul.f32 v10, v10;
	_ =	sdelay $0x1  }
0x13b: {  	v42 =	vmul.f32 v39, v39;
	v14 =	vadd.f32 v41, v40  }
0x13c: {  	vm10 =	vgt.f32 v10, $0.0e+00;
	vm11 =	vgt.f32 v39, $0.0e+00  }
0x13d: {  	v10 =	vsel vm10, $0x2, v3;
	v12 =	vsel vm11, $0x1, v3;
	v14 =	vadd.f32 v42, v14  }
0x13e: {  	vm12 =	vgt.f32 v9, $0.0e+00;
	v9 =	vor.u32 v12, v10  }
0x13f: {  	vm13 =	vmneg vm12;
	v10 =	vshll.u32 v9, $0x3;
	vm14 =	vle.f32 v14, $1.000000000e+00  }
0x140: {  	v43 =	vshll.u32 v4, v10;
	vm15 =	vmand vm13, vm14  }
0x141: {  	vm0 =	vmand vm14, vm12;
	v44 =	vnsel vm15, $0x0, v43  }
0x142: {  	v12 =	vnsel vm0, $0x0, v43;
	(xrf0) =	vadd.scan.msk.s32 $0xffff, v44  }
0x143: {  	(xrf0) =	vadd.scan.msk.s32 $0xffff, v12;
	_ =	sdelay $0x1  }
0x144: {  	v11 =	vperm.xlane v11, v6;
	_ =	sdelay $0x1  }
0x145: {  	v45 =	vperm.xlane v34, v6  }
0x146: {  	v46, _, _ =	vpop (xrf0)  }
0x147: {  	v8 =	vadd.s32 v8, v45;
	v7 =	vadd.s32 v7, v11;
	v11, _, _ =	vpop (xrf0)  }
0x148: {  	v12 =	vadd.s32 v8, v46;
	v47 =	vadd.s32 v7, v11  }
0x149: {  	v12 =	vsel vm13, v12, v47  }
0x14a: {  	v10 =	vshra.s32 v12, v10  }
0x14b: {  	v10 =	vand.u32 $0xFF, v10  }
0x14c: {  	vm6 =	vlt.u32 v10, $0x41  }
0x14d: {  	v48 =	vsel vm13, $0x0, v2;
	v10 =	vadd.s32 $0xFFFFFFFF, v10;
	vm0 =	vmand vm14, vm6  }
0x14e: {  	v9 =	vor.u32 v48, v9;
	v10 =	vnsel vm0, $0x0, v10  }
0x14f: {  	v9 =	vshll.u32 v9, $0x7;
	v49 =	vand.u32 $0xFFFFFF80, v10  }
0x150: {  	v10 =	vand.u32 $0x7F, v10;
	v9 =	vadd.s32 v9, v49  }
0x151: {  	v9 =	vor.u32 v10, v9;
	_ =	sdelay $0x3  }
0x152: {  	s9 =	sand.u32 $0x70, s29;
	v10 =	vor.u32 s7, v5  }
0x153: {  	s11 =	sand.u32 $0x7, s2;
	s6 =	sor.u32 s9, s6;
	[tilespmem:v9+s1+$0x0] =	vst.idx.msk vm0, v10  }
0x154: {  	s26 =	sshll.u32 s11, $0x4;
	v9 =	vld [tilespmem:s6+$0x0]  }
0x155: {  	s7 =	sadd.s32 s26, s28;
	v10 =	vld [tilespmem:s6+$0x80]  }
0x156: {  	s30 =	sor.u32 $0x100, s7  }
0x157: {  	v50 =	vld [tilespmem:s30+$0x0];
	_ =	sdelay $0x2  }
0x158: {  	v51 =	vmul.f32 v9, v9;
	v52 =	vmul.f32 v10, v10;
	_ =	sdelay $0x1  }
0x159: {  	v53 =	vmul.f32 v50, v50;
	v14 =	vadd.f32 v52, v51  }
0x15a: {  	vm7 =	vgt.f32 v10, $0.0e+00;
	vm8 =	vgt.f32 v50, $0.0e+00  }
0x15b: {  	v10 =	vsel vm7, $0x2, v3;
	v12 =	vsel vm8, $0x1, v3;
	v14 =	vadd.f32 v53, v14  }
0x15c: {  	vm9 =	vgt.f32 v9, $0.0e+00;
	v9 =	vor.u32 v12, v10  }
0x15d: {  	vm10 =	vmneg vm9;
	v10 =	vshll.u32 v9, $0x3;
	vm11 =	vle.f32 v14, $1.000000000e+00  }
0x15e: {  	v54 =	vshll.u32 v4, v10;
	vm12 =	vmand vm10, vm11  }
0x15f: {  	vm2 =	vmand vm11, vm9;
	v55 =	vnsel vm12, $0x0, v54  }
0x160: {  	v12 =	vnsel vm2, $0x0, v54;
	(xrf0) =	vadd.scan.msk.s32 $0xffff, v55  }
0x161: {  	(xrf0) =	vadd.scan.msk.s32 $0xffff, v12;
	_ =	sdelay $0x4  }
0x162: {  	v13 =	vperm.xlane v46, v6;
	v56, _, _ =	vpop (xrf0)  }
0x163: {  	v11 =	vperm.xlane v11, v6;
	v57, _, _ =	vpop (xrf0);
	v58 =	vperm.xlane v56, v6  }
0x164: {  	v13 =	vadd.s32 v8, v13;
	v8 =	vperm.xlane v57, v6  }
0x165: {  	v11 =	vadd.s32 v7, v11;
	v7 =	vadd.s32 v13, v58  }
0x166: {  	v8 =	vadd.s32 v11, v8;
	v15 =	vshrl.u32 v7, $0x6  }
0x167: {  	v16 =	vshrl.u32 v7, $0x7;
	v59 =	vshrl.u32 v8, $0x6;
	v17 =	vshrl.u32 v8, $0x7  }
0x168: {  	v15 =	vor.u32 v16, v15;
	v16 =	vor.u32 v17, v59  }
0x169: {  	v15 =	vand.u32 $0x1010101, v15;
	v16 =	vand.u32 $0x1010101, v16  }
0x16a: {  	v60 =	vmul.u32 $0xFF, v15;
	v18 =	vmul.u32 $0xFF, v16  }
0x16b: {  	v62 =	vshll.u32 v16, $0x6  }
0x16c: {  	v7 =	vandn.u32 v7, v60;
	v61 =	vandn.u32 v8, v18;
	v8 =	vshll.u32 v15, $0x6  }
0x16d: {  	v8 =	vor.u32 v8, v7;
	v7 =	vor.u32 v62, v61  }
0x16e: {  	vm13 =	veq.s32 v8, $0x40404040;
	vm14 =	veq.s32 v7, $0x40404040  }
0x16f: {  	vm2 =	vmand vm13, vm14  }
0x170: {  	v63 =	vsel vm2, $0x3F800000, v1  }
0x171: {  	(xrf0) =	vmin.scan.msk.f32 $0xffff, v63;
	_ =	sdelay $0x5  }
0x172: {  	v15, _, _ =	vpop (xrf0)  }
0x173: {  	(v2sf) =	vpush v15, $0xF;
	_ =	sdelay $0x8  }
0x174: {  	v12 =	vadd.s32 v13, v56;
	v11 =	vadd.s32 v11, v57  }
0x175: {  	v11 =	vsel vm10, v12, v11  }
0x176: {  	v10 =	vshra.s32 v11, v10  }
0x177: {  	v10 =	vand.u32 $0xFF, v10  }
0x178: {  	vm15 =	vlt.u32 v10, $0x41  }
0x179: {  	v11 =	vsel vm10, $0x0, v2;
	v10 =	vadd.s32 $0xFFFFFFFF, v10;
	vm0 =	vmand vm11, vm15  }
0x17a: {  	p1 =	sgt.u32 s10, $0x3FB;
	v9 =	vor.u32 v11, v9;
	v10 =	vnsel vm0, $0x0, v10;
	s6 =	spop (v2sf)  }
0x17b: {  	v9 =	vshll.u32 v9, $0x7;
	v11 =	vand.u32 $0xFFFFFF80, v10;
	p2 =	sgt.f32 @!p1 s6, $0.0e+00  }
0x17c: {  	v10 =	vand.u32 $0x7F, v10;
	v9 =	vadd.s32 v9, v11  }
0x17d: {  	v9 =	vor.u32 v10, v9;
	p1 =	por p1, p2  }
.Ltmp5:
0x17e: {  	_ = 	snop;
	(pc) =	sbr.rel @!p1 .LBB2_7-.Ltmp5, $3  }
0x17f: {  	_ =	sdelay $0x1  }
0x180: {  	s10 =	sadd.s32 $0x4, s10;
	p0 =	por !p0, !p0;
	s5 =	sadd.s32 $0x2, s5;
	v10 =	vor.u32 s29, v5  }
0x181: {  	s2 =	sadd.s32 $0x4, s2;
	s28 =	sadd.s32 $0x100, s28;
	s29 =	sadd.s32 $0x40, s29;
	[tilespmem:v9+s1+$0x0] =	vst.idx.msk vm0, v10  }
.Ltmp6:
0x182: {  	_ = 	snop;
	(pc) =	sbr.rel .LBB2_8-.Ltmp6, $1  }
0x183: {  	_ =	sdelay $0x3  }
.LBB2_9:
0x184: {  	_ =	sfence.sel $0x180000  }
0x185: {  	[bflag:$0x0] =	sbarrier.arrive $0xFFFF  }
0x186: {  	_ =	strace $0x90000047  }
0x187: {  	s0 =	stileid.u32;
	[bflag:$0x2] =	sbarrier.arrive $0xFFFF  }
0x188: {  	p0 =	sne.s32 s0, $0x0;
	s0 =	rddreg [dreg:$0x2]  }
0x189: {  	s0 =	sadd.s32 @!p0 $0x100000, s0  }
0x18a: {  	[sflag:s0] =	ssyncadd.tile.s32 @!p0 $0x1;
	_ =	shalt  }
.Lfunc_end2:
_tile_overlayer_lowered:
.L_overlay_start_2:
0x18b: {  	(tag) =	ssettag $0x2  }
0x18c: {  	s0 =	rddreg [dreg:$0x0];
	s2 =	stileid.u32  }
0x18d: {  	s1 =	rddreg [dreg:$0x1];
	p0 =	sne.s32 s2, $0x0  }
0x18e: {  	s3 =	rddreg [dreg:$0x2];
	[bflag:$0x3] =	sbarrier.arrive $0xFFFF;
	s2 =	simm.s32 @!p0 $0x1C03  }
0x18f: {  	[timem:s3], [sflag:s2] =	dma.local @!p0 [hbm:s0], s1  }
0x190: {  	s0 =	simm.s32 @!p0 $0x3  }
0x191: {  	_ =	swait.ge @!p0 [sflag:s0], s1  }
0x192: {  	s1 =	ssub.s32 @!p0 $0x0, s1;
	[sflag:s0] =	ssyncset.done @!p0 $0x0  }
0x193: {  	[sflag:s0] =	ssyncadd.s32 @!p0 s1  }
0x194: {  	[bflag:$0x3] =	sbarrier.arrive $0xFFFF  }
0x195: {  	_ =	shalt  }

</sc_bundles>
